<compile_context>
chip_gen: v7x
topology: tpu7x:2x2x1
jax: 0.10.2.dev20260603
libtpu: 0.0.44.dev20260713+nightly
codegen_flags: <defaults>
</compile_context>

<pallas_src>
import functools

import jax
import jax.numpy as jnp
from jax import lax
from jax.experimental import pallas as pl
from jax.experimental.pallas import tpu as pltpu
from jax.experimental.pallas import tpu_sc as plsc


def _sc_worker_count():
    try:
        info = plsc.get_sparse_core_info()
        return info.num_cores, info.num_subcores
    except Exception:
        return 2, 16


@functools.lru_cache(maxsize=None)
def _build_sc_d2_kernel(E, N, G):
    NC, NS = _sc_worker_count()
    NW = NC * NS
    EPW = E // NW
    mesh = plsc.VectorSubcoreMesh(core_axis_name="c", subcore_axis_name="s")

    @functools.partial(
        pl.kernel,
        mesh=mesh,
        compiler_params=pltpu.CompilerParams(needs_layout_passes=False),
        out_type=jax.ShapeDtypeStruct((E,), jnp.float32),
        scratch_types=[
            pltpu.VMEM((EPW,), jnp.int32),
            pltpu.VMEM((EPW,), jnp.int32),
            pltpu.VMEM((EPW,), jnp.int32),
            pltpu.VMEM((3 * EPW,), jnp.float32),
            pltpu.VMEM((EPW,), jnp.float32),
            pltpu.VMEM((3 * N,), jnp.float32),
            pltpu.VMEM((3 * G,), jnp.float32),
            pltpu.SemaphoreType.DMA,
        ],
    )
    def sc_d2(sen_h, rec_h, eg_h, tj_h, cart_h, abc_h, d2_h,
              s_v, r_v, g_v, tj_v, d2_v, cart_v, abc_v, sem):
        wid = lax.axis_index("s") * NC + lax.axis_index("c")
        eb = wid * EPW

        cps = [
            pltpu.async_copy(cart_h, cart_v, sem),
            pltpu.async_copy(abc_h, abc_v, sem),
            pltpu.async_copy(sen_h.at[pl.ds(eb, EPW)], s_v, sem),
            pltpu.async_copy(rec_h.at[pl.ds(eb, EPW)], r_v, sem),
            pltpu.async_copy(eg_h.at[pl.ds(eb, EPW)], g_v, sem),
            pltpu.async_copy(tj_h.at[pl.ds(eb * 3, EPW * 3)], tj_v, sem),
        ]
        for cp in cps:
            cp.wait()

        lane3 = lax.iota(jnp.int32, 16) * 3

        @plsc.parallel_loop(0, EPW, 16, unroll=4)
        def body(off):
            s3 = s_v[pl.ds(off, 16)] * 3
            r3 = r_v[pl.ds(off, 16)] * 3
            g3 = g_v[pl.ds(off, 16)] * 3
            t0 = off * 3 + lane3
            sx = plsc.load_gather(cart_v, [s3])
            sy = plsc.load_gather(cart_v, [s3 + 1])
            sz = plsc.load_gather(cart_v, [s3 + 2])
            rx = plsc.load_gather(cart_v, [r3])
            ry = plsc.load_gather(cart_v, [r3 + 1])
            rz = plsc.load_gather(cart_v, [r3 + 2])
            ax = plsc.load_gather(abc_v, [g3])
            ay = plsc.load_gather(abc_v, [g3 + 1])
            az = plsc.load_gather(abc_v, [g3 + 2])
            tx = plsc.load_gather(tj_v, [t0])
            ty = plsc.load_gather(tj_v, [t0 + 1])
            tz = plsc.load_gather(tj_v, [t0 + 2])
            cx = sx + rx + ax * tx
            cy = sy + ry + ay * ty
            cz = sz + rz + az * tz
            d2_v[pl.ds(off, 16)] = cx * cx + cy * cy + cz * cz

        pltpu.sync_copy(d2_v, d2_h.at[pl.ds(eb, EPW)])

    return sc_d2


@functools.lru_cache(maxsize=None)
def _build_sc_embed_kernel(N, D):
    NC, NS = _sc_worker_count()
    NW = NC * NS
    NCHUNK = 16
    NPW = -(-N // (NW * NCHUNK)) * NCHUNK
    mesh = plsc.VectorSubcoreMesh(core_axis_name="c", subcore_axis_name="s")

    @functools.partial(
        pl.kernel,
        mesh=mesh,
        compiler_params=pltpu.CompilerParams(needs_layout_passes=False),
        out_type=jax.ShapeDtypeStruct((N, D), jnp.float32),
        scratch_types=[
            pltpu.VMEM((NCHUNK,), jnp.int32),
            pltpu.VMEM((NCHUNK, D), jnp.float32),
            pltpu.SemaphoreType.DMA,
        ],
    )
    def sc_embed(sp_h, tab_h, ne_h, si_v, rows_v, sem):
        wid = lax.axis_index("s") * NC + lax.axis_index("c")
        nb = wid * NPW
        for j in range(NPW // NCHUNK):
            row0 = nb + j * NCHUNK

            @pl.when(row0 + NCHUNK <= N)
            def _():
                pltpu.sync_copy(sp_h.at[pl.ds(row0, NCHUNK)], si_v)
                pltpu.async_copy(tab_h.at[si_v], rows_v, sem).wait()
                pltpu.sync_copy(rows_v, ne_h.at[pl.ds(row0, NCHUNK)])

    return sc_embed


def _tc_body(d2_ref, c_ref, w_ref, p_ref, o_ref):
    dist = jnp.sqrt(d2_ref[0] + 1e-12)
    w = w_ref[...]
    scale = -0.5 / (w * w)
    diff = dist - c_ref[...]
    rbf = jnp.exp(diff * diff * scale)
    o_ref[...] = jax.lax.dot_general(
        rbf.astype(jnp.bfloat16), p_ref[...].astype(jnp.bfloat16),
        (((0,), (0,)), ((), ())),
        preferred_element_type=jnp.float32)


def kernel(cart, senders, receivers, to_jimage, abc, species,
           node_graph_i, edge_graph_i, n_node, n_edge,
           species_table, rbf_centers, rbf_widths, dist_proj):
    E = senders.shape[0]
    N = cart.shape[0]
    G = abc.shape[0]
    D = species_table.shape[1]
    R = rbf_centers.shape[0]

    NW = 32
    assert E % (NW * 16) == 0 and (E // NW) % 8 == 0 and N % 16 == 0

    d2 = _build_sc_d2_kernel(E, N, G)(
        senders, receivers, edge_graph_i, to_jimage.reshape(-1),
        cart.reshape(-1), abc.reshape(-1))
    node_emb = _build_sc_embed_kernel(N, D)(species, species_table)

    BE = 12800
    assert E % BE == 0
    edge_emb = pl.pallas_call(
        _tc_body,
        grid=(E // BE,),
        in_specs=[
            pl.BlockSpec((1, 1, BE), lambda i: (i, 0, 0)),
            pl.BlockSpec((R, 1), lambda i: (0, 0)),
            pl.BlockSpec((R, 1), lambda i: (0, 0)),
            pl.BlockSpec((R, D), lambda i: (0, 0)),
        ],
        out_specs=pl.BlockSpec((BE, D), lambda i: (i, 0)),
        out_shape=jax.ShapeDtypeStruct((E, D), jnp.float32),
    )(d2.reshape(E // BE, 1, BE), rbf_centers.reshape(R, 1),
      rbf_widths.reshape(R, 1), dist_proj)

    graph_emb = jnp.zeros((n_node.shape[0], 0), dtype=jnp.float32)
    return (node_emb, senders, receivers, edge_emb, graph_emb,
            n_node, n_edge, node_graph_i, edge_graph_i)

# --- scband reference (transcript-rebuilt; emitter-appended) ---
"""Pipeline reference for scband-input-encoder-13245679141022 (READ-ONLY COPY).

The authoritative reference and input builder live on the scoring server;
editing this copy changes nothing except your own understanding.
"""

import jax, jax.numpy as jnp
import numpy as np

N = 10000
E = 320000
G = 32
D = 128
NRBF = 64
NSPECIES = 100
CUTOFF = 8.0


def setup_inputs(seed: int = 0) -> dict:
    key = jax.random.key(seed)
    ks = jax.random.split(key, 12)
    cart = jax.random.normal(ks[0], (N, 3), dtype=jnp.float32) * 5.0
    senders = jax.random.randint(ks[1], (E,), 0, N, dtype=jnp.int32)
    receivers = jax.random.randint(ks[2], (E,), 0, N, dtype=jnp.int32)
    to_jimage = jax.random.normal(ks[3], (E, 3), dtype=jnp.float32)
    abc = jax.random.uniform(ks[4], (G, 3), dtype=jnp.float32, minval=3.0, maxval=10.0)
    species = jax.random.randint(ks[5], (N,), 0, NSPECIES, dtype=jnp.int32)
    node_graph_i = jnp.sort(jax.random.randint(ks[6], (N,), 0, G, dtype=jnp.int32))
    edge_graph_i = jnp.sort(jax.random.randint(ks[7], (E,), 0, G, dtype=jnp.int32))
    n_node = jnp.bincount(node_graph_i, length=G).astype(jnp.int32)
    n_edge = jnp.bincount(edge_graph_i, length=G).astype(jnp.int32)
    # learned parameters
    species_table = jax.random.normal(ks[8], (NSPECIES, D), dtype=jnp.float32) * 0.02
    rbf_centers = jnp.linspace(0.0, CUTOFF, NRBF, dtype=jnp.float32)
    rbf_widths = jnp.full((NRBF,), 0.5, dtype=jnp.float32)
    dist_proj = jax.random.normal(ks[9], (NRBF, D), dtype=jnp.float32) * (1.0 / np.sqrt(NRBF))
    return {
        'cart': cart, 'senders': senders, 'receivers': receivers,
        'to_jimage': to_jimage, 'abc': abc, 'species': species,
        'node_graph_i': node_graph_i, 'edge_graph_i': edge_graph_i,
        'n_node': n_node, 'n_edge': n_edge,
        'species_table': species_table, 'rbf_centers': rbf_centers,
        'rbf_widths': rbf_widths, 'dist_proj': dist_proj,
    }


def reference(cart, senders, receivers, to_jimage, abc, species,
              node_graph_i, edge_graph_i, n_node, n_edge,
              species_table, rbf_centers, rbf_widths, dist_proj):
    # send_pos = cg.nodes.cart[cg.senders]
    send_pos = jnp.take(cart, senders, axis=0)
    # offsets = cg.graph_data.abc[cg.edges.graph_i] * cg.edges.to_jimage
    offsets = jnp.take(abc, edge_graph_i, axis=0) * to_jimage
    # recv_pos = cg.nodes.cart[cg.receivers] + offsets
    recv_pos = jnp.take(cart, receivers, axis=0) + offsets
    # EinsOp('edge 3, edge 3 -> edge', combine='add', reduce='l2_norm')
    comb = send_pos + recv_pos
    dist = jnp.sqrt(jnp.sum(comb * comb, axis=-1) + 1e-12)
    # distance_enc: gaussian RBF expansion + linear projection
    rbf = jnp.exp(-((dist[:, None] - rbf_centers[None, :]) ** 2) / (2.0 * rbf_widths[None, :] ** 2))
    edge_emb = rbf @ dist_proj
    # species_emb: learned embedding table lookup
    node_emb = jnp.take(species_table, species, axis=0)
    graph_emb = jnp.zeros((n_node.shape[0], 0), dtype=jnp.float32)
    return (node_emb, senders, receivers, edge_emb, graph_emb,
            n_node, n_edge, node_graph_i, edge_graph_i)

if __name__ == "__main__":
    import jax
    _d = setup_inputs()
    print(jax.jit(kernel)(*tuple(_d.values())))

</pallas_src>

<mosaic_0001>
#map = affine_map<(d0, d1) -> (0)>
module attributes {stable_mosaic.version = 14 : i64} {
  func.func @sc_d2(%arg0: i32, %arg1: i32, %arg2: memref<320000xi32, #tpu.memory_space<hbm>>, %arg3: memref<320000xi32, #tpu.memory_space<hbm>>, %arg4: memref<320000xi32, #tpu.memory_space<hbm>>, %arg5: memref<960000xf32, #tpu.memory_space<hbm>>, %arg6: memref<30000xf32, #tpu.memory_space<hbm>>, %arg7: memref<96xf32, #tpu.memory_space<hbm>>, %arg8: memref<320000xf32, #tpu.memory_space<hbm>>, %arg9: memref<10000xi32, #tpu.memory_space<vmem>>, %arg10: memref<10000xi32, #tpu.memory_space<vmem>>, %arg11: memref<10000xi32, #tpu.memory_space<vmem>>, %arg12: memref<30000xf32, #tpu.memory_space<vmem>>, %arg13: memref<10000xf32, #tpu.memory_space<vmem>>, %arg14: memref<30000xf32, #tpu.memory_space<vmem>>, %arg15: memref<96xf32, #tpu.memory_space<vmem>>, %arg16: memref<!tpu.dma_semaphore, #tpu.memory_space<semaphore_mem>>) attributes {dimension_semantics = [#tpu.dimension_semantics<core_parallel>, #tpu.dimension_semantics<subcore_parallel>], iteration_bounds = array<i64: 2, 16>, scalar_prefetch = 0 : i64, scratch_operands = 8 : i64, tpu.core_type = #tpu.core_type<sc_vector_subcore>, window_params = [{transform_indices = #map}, {transform_indices = #map}, {transform_indices = #map}, {transform_indices = #map}, {transform_indices = #map}, {transform_indices = #map}, {transform_indices = #map}]} {
    %mul3A = arith.constant 2 : i32
    %mul3A_0 = arith.muli %arg1, %mul3A : i32
    %add3A = arith.addi %mul3A_0, %arg0 : i32
    %mul3A_1 = arith.constant 10000 : i32
    %mul3A_2 = arith.muli %add3A, %mul3A_1 : i32
    tpu.enqueue_dma source(%arg6 : memref<30000xf32, #tpu.memory_space<hbm>>) target(%arg14 : memref<30000xf32, #tpu.memory_space<vmem>>) target_semaphore(%arg16 : memref<!tpu.dma_semaphore, #tpu.memory_space<semaphore_mem>>)
    tpu.enqueue_dma source(%arg7 : memref<96xf32, #tpu.memory_space<hbm>>) target(%arg15 : memref<96xf32, #tpu.memory_space<vmem>>) target_semaphore(%arg16 : memref<!tpu.dma_semaphore, #tpu.memory_space<semaphore_mem>>)
    %dma_start3A = tpu.memref_slice %arg2[%mul3A_2] : memref<320000xi32, #tpu.memory_space<hbm>> -> memref<10000xi32, #tpu.memory_space<hbm>>
    %dma_start3A_3 = tpu.memref_slice %arg2[%mul3A_2] : memref<320000xi32, #tpu.memory_space<hbm>> -> memref<10000xi32, #tpu.memory_space<hbm>>
    tpu.enqueue_dma source(%dma_start3A_3 : memref<10000xi32, #tpu.memory_space<hbm>>) target(%arg9 : memref<10000xi32, #tpu.memory_space<vmem>>) target_semaphore(%arg16 : memref<!tpu.dma_semaphore, #tpu.memory_space<semaphore_mem>>)
    %dma_start3A_4 = tpu.memref_slice %arg3[%mul3A_2] : memref<320000xi32, #tpu.memory_space<hbm>> -> memref<10000xi32, #tpu.memory_space<hbm>>
    %dma_start3A_5 = tpu.memref_slice %arg3[%mul3A_2] : memref<320000xi32, #tpu.memory_space<hbm>> -> memref<10000xi32, #tpu.memory_space<hbm>>
    tpu.enqueue_dma source(%dma_start3A_5 : memref<10000xi32, #tpu.memory_space<hbm>>) target(%arg10 : memref<10000xi32, #tpu.memory_space<vmem>>) target_semaphore(%arg16 : memref<!tpu.dma_semaphore, #tpu.memory_space<semaphore_mem>>)
    %dma_start3A_6 = tpu.memref_slice %arg4[%mul3A_2] : memref<320000xi32, #tpu.memory_space<hbm>> -> memref<10000xi32, #tpu.memory_space<hbm>>
    %dma_start3A_7 = tpu.memref_slice %arg4[%mul3A_2] : memref<320000xi32, #tpu.memory_space<hbm>> -> memref<10000xi32, #tpu.memory_space<hbm>>
    tpu.enqueue_dma source(%dma_start3A_7 : memref<10000xi32, #tpu.memory_space<hbm>>) target(%arg11 : memref<10000xi32, #tpu.memory_space<vmem>>) target_semaphore(%arg16 : memref<!tpu.dma_semaphore, #tpu.memory_space<semaphore_mem>>)
    %mul3A_8 = arith.constant 3 : i32
    %mul3A_9 = arith.muli %mul3A_2, %mul3A_8 : i32
    %dma_start3A_10 = tpu.memref_slice %arg5[%mul3A_9] : memref<960000xf32, #tpu.memory_space<hbm>> -> memref<30000xf32, #tpu.memory_space<hbm>>
    %dma_start3A_11 = tpu.memref_slice %arg5[%mul3A_9] : memref<960000xf32, #tpu.memory_space<hbm>> -> memref<30000xf32, #tpu.memory_space<hbm>>
    tpu.enqueue_dma source(%dma_start3A_11 : memref<30000xf32, #tpu.memory_space<hbm>>) target(%arg12 : memref<30000xf32, #tpu.memory_space<vmem>>) target_semaphore(%arg16 : memref<!tpu.dma_semaphore, #tpu.memory_space<semaphore_mem>>)
    tpu.wait_dma2 semaphore(%arg16 : memref<!tpu.dma_semaphore, #tpu.memory_space<semaphore_mem>>) src(%arg6 : memref<30000xf32, #tpu.memory_space<hbm>>) dst(%arg14 : memref<30000xf32, #tpu.memory_space<vmem>>)
    tpu.wait_dma2 semaphore(%arg16 : memref<!tpu.dma_semaphore, #tpu.memory_space<semaphore_mem>>) src(%arg7 : memref<96xf32, #tpu.memory_space<hbm>>) dst(%arg15 : memref<96xf32, #tpu.memory_space<vmem>>)
    %dma_wait3A = tpu.memref_slice %arg2[%mul3A_2] : memref<320000xi32, #tpu.memory_space<hbm>> -> memref<10000xi32, #tpu.memory_space<hbm>>
    %dma_wait3A_12 = tpu.memref_slice %arg2[%mul3A_2] : memref<320000xi32, #tpu.memory_space<hbm>> -> memref<10000xi32, #tpu.memory_space<hbm>>
    tpu.wait_dma2 semaphore(%arg16 : memref<!tpu.dma_semaphore, #tpu.memory_space<semaphore_mem>>) src(%dma_wait3A_12 : memref<10000xi32, #tpu.memory_space<hbm>>) dst(%arg9 : memref<10000xi32, #tpu.memory_space<vmem>>)
    %dma_wait3A_13 = tpu.memref_slice %arg3[%mul3A_2] : memref<320000xi32, #tpu.memory_space<hbm>> -> memref<10000xi32, #tpu.memory_space<hbm>>
    %dma_wait3A_14 = tpu.memref_slice %arg3[%mul3A_2] : memref<320000xi32, #tpu.memory_space<hbm>> -> memref<10000xi32, #tpu.memory_space<hbm>>
    tpu.wait_dma2 semaphore(%arg16 : memref<!tpu.dma_semaphore, #tpu.memory_space<semaphore_mem>>) src(%dma_wait3A_14 : memref<10000xi32, #tpu.memory_space<hbm>>) dst(%arg10 : memref<10000xi32, #tpu.memory_space<vmem>>)
    %dma_wait3A_15 = tpu.memref_slice %arg4[%mul3A_2] : memref<320000xi32, #tpu.memory_space<hbm>> -> memref<10000xi32, #tpu.memory_space<hbm>>
    %dma_wait3A_16 = tpu.memref_slice %arg4[%mul3A_2] : memref<320000xi32, #tpu.memory_space<hbm>> -> memref<10000xi32, #tpu.memory_space<hbm>>
    tpu.wait_dma2 semaphore(%arg16 : memref<!tpu.dma_semaphore, #tpu.memory_space<semaphore_mem>>) src(%dma_wait3A_16 : memref<10000xi32, #tpu.memory_space<hbm>>) dst(%arg11 : memref<10000xi32, #tpu.memory_space<vmem>>)
    %dma_wait3A_17 = tpu.memref_slice %arg5[%mul3A_9] : memref<960000xf32, #tpu.memory_space<hbm>> -> memref<30000xf32, #tpu.memory_space<hbm>>
    %dma_wait3A_18 = tpu.memref_slice %arg5[%mul3A_9] : memref<960000xf32, #tpu.memory_space<hbm>> -> memref<30000xf32, #tpu.memory_space<hbm>>
    tpu.wait_dma2 semaphore(%arg16 : memref<!tpu.dma_semaphore, #tpu.memory_space<semaphore_mem>>) src(%dma_wait3A_18 : memref<30000xf32, #tpu.memory_space<hbm>>) dst(%arg12 : memref<30000xf32, #tpu.memory_space<vmem>>)
    %iota3A = tpu.iota {dimensions = array<i32: 0>} : vector<16xi32>
    %mul3A_19 = arith.constant 3 : i32
    %mul3A_20 = vector.broadcast %mul3A_19 : i32 to vector<16xi32>
    %mul3A_21 = arith.muli %iota3A, %mul3A_20 : vector<16xi32>
    %parallel_loop3A = arith.constant 0 : i32
    %parallel_loop3A_22 = arith.constant 10000 : i32
    %parallel_loop3A_23 = arith.constant 16 : i32
    scf.for %parallel_loop3A_24 = %parallel_loop3A to %parallel_loop3A_22 step %parallel_loop3A_23  : i32 {
      %parallel_loop3A_25 = arith.index_cast %parallel_loop3A_24 : i32 to index
      %parallel_loop3A_26 = tpu.vector_load %arg9[%parallel_loop3A_25] {strides = array<i32>} : memref<10000xi32, #tpu.memory_space<vmem>>, vector<16xi32>,
      %parallel_loop3A_27 = arith.constant 3 : i32
      %parallel_loop3A_28 = vector.broadcast %parallel_loop3A_27 : i32 to vector<16xi32>
      %parallel_loop3A_29 = arith.muli %parallel_loop3A_26, %parallel_loop3A_28 : vector<16xi32>
      %parallel_loop3A_30 = arith.index_cast %parallel_loop3A_24 : i32 to index
      %parallel_loop3A_31 = tpu.vector_load %arg10[%parallel_loop3A_30] {strides = array<i32>} : memref<10000xi32, #tpu.memory_space<vmem>>, vector<16xi32>,
      %parallel_loop3A_32 = arith.constant 3 : i32
      %parallel_loop3A_33 = vector.broadcast %parallel_loop3A_32 : i32 to vector<16xi32>
      %parallel_loop3A_34 = arith.muli %parallel_loop3A_31, %parallel_loop3A_33 : vector<16xi32>
      %parallel_loop3A_35 = arith.index_cast %parallel_loop3A_24 : i32 to index
      %parallel_loop3A_36 = tpu.vector_load %arg11[%parallel_loop3A_35] {strides = array<i32>} : memref<10000xi32, #tpu.memory_space<vmem>>, vector<16xi32>,
      %parallel_loop3A_37 = arith.constant 3 : i32
      %parallel_loop3A_38 = vector.broadcast %parallel_loop3A_37 : i32 to vector<16xi32>
      %parallel_loop3A_39 = arith.muli %parallel_loop3A_36, %parallel_loop3A_38 : vector<16xi32>
      %parallel_loop3A_40 = arith.constant 3 : i32
      %parallel_loop3A_41 = arith.muli %parallel_loop3A_24, %parallel_loop3A_40 : i32
      %parallel_loop3A_42 = vector.broadcast %parallel_loop3A_41 : i32 to vector<16xi32>
      %parallel_loop3A_43 = arith.addi %parallel_loop3A_42, %mul3A_21 : vector<16xi32>
      %parallel_loop3A_44 = tpu.vector_load_idx %arg14[%parallel_loop3A_29] : memref<30000xf32, #tpu.memory_space<vmem>>[vector<16xi32>], vector<16xf32>,
      %parallel_loop3A_45 = arith.constant 1 : i32
      %parallel_loop3A_46 = vector.broadcast %parallel_loop3A_45 : i32 to vector<16xi32>
      %parallel_loop3A_47 = arith.addi %parallel_loop3A_29, %parallel_loop3A_46 : vector<16xi32>
      %parallel_loop3A_48 = tpu.vector_load_idx %arg14[%parallel_loop3A_47] : memref<30000xf32, #tpu.memory_space<vmem>>[vector<16xi32>], vector<16xf32>,
      %parallel_loop3A_49 = arith.constant 2 : i32
      %parallel_loop3A_50 = vector.broadcast %parallel_loop3A_49 : i32 to vector<16xi32>
      %parallel_loop3A_51 = arith.addi %parallel_loop3A_29, %parallel_loop3A_50 : vector<16xi32>
      %parallel_loop3A_52 = tpu.vector_load_idx %arg14[%parallel_loop3A_51] : memref<30000xf32, #tpu.memory_space<vmem>>[vector<16xi32>], vector<16xf32>,
      %parallel_loop3A_53 = tpu.vector_load_idx %arg14[%parallel_loop3A_34] : memref<30000xf32, #tpu.memory_space<vmem>>[vector<16xi32>], vector<16xf32>,
      %parallel_loop3A_54 = arith.constant 1 : i32
      %parallel_loop3A_55 = vector.broadcast %parallel_loop3A_54 : i32 to vector<16xi32>
      %parallel_loop3A_56 = arith.addi %parallel_loop3A_34, %parallel_loop3A_55 : vector<16xi32>
      %parallel_loop3A_57 = tpu.vector_load_idx %arg14[%parallel_loop3A_56] : memref<30000xf32, #tpu.memory_space<vmem>>[vector<16xi32>], vector<16xf32>,
      %parallel_loop3A_58 = arith.constant 2 : i32
      %parallel_loop3A_59 = vector.broadcast %parallel_loop3A_58 : i32 to vector<16xi32>
      %parallel_loop3A_60 = arith.addi %parallel_loop3A_34, %parallel_loop3A_59 : vector<16xi32>
      %parallel_loop3A_61 = tpu.vector_load_idx %arg14[%parallel_loop3A_60] : memref<30000xf32, #tpu.memory_space<vmem>>[vector<16xi32>], vector<16xf32>,
      %parallel_loop3A_62 = tpu.vector_load_idx %arg15[%parallel_loop3A_39] : memref<96xf32, #tpu.memory_space<vmem>>[vector<16xi32>], vector<16xf32>,
      %parallel_loop3A_63 = arith.constant 1 : i32
      %parallel_loop3A_64 = vector.broadcast %parallel_loop3A_63 : i32 to vector<16xi32>
      %parallel_loop3A_65 = arith.addi %parallel_loop3A_39, %parallel_loop3A_64 : vector<16xi32>
      %parallel_loop3A_66 = tpu.vector_load_idx %arg15[%parallel_loop3A_65] : memref<96xf32, #tpu.memory_space<vmem>>[vector<16xi32>], vector<16xf32>,
      %parallel_loop3A_67 = arith.constant 2 : i32
      %parallel_loop3A_68 = vector.broadcast %parallel_loop3A_67 : i32 to vector<16xi32>
      %parallel_loop3A_69 = arith.addi %parallel_loop3A_39, %parallel_loop3A_68 : vector<16xi32>
      %parallel_loop3A_70 = tpu.vector_load_idx %arg15[%parallel_loop3A_69] : memref<96xf32, #tpu.memory_space<vmem>>[vector<16xi32>], vector<16xf32>,
      %parallel_loop3A_71 = tpu.vector_load_idx %arg12[%parallel_loop3A_43] : memref<30000xf32, #tpu.memory_space<vmem>>[vector<16xi32>], vector<16xf32>,
      %parallel_loop3A_72 = arith.constant 1 : i32
      %parallel_loop3A_73 = vector.broadcast %parallel_loop3A_72 : i32 to vector<16xi32>
      %parallel_loop3A_74 = arith.addi %parallel_loop3A_43, %parallel_loop3A_73 : vector<16xi32>
      %parallel_loop3A_75 = tpu.vector_load_idx %arg12[%parallel_loop3A_74] : memref<30000xf32, #tpu.memory_space<vmem>>[vector<16xi32>], vector<16xf32>,
      %parallel_loop3A_76 = arith.constant 2 : i32
      %parallel_loop3A_77 = vector.broadcast %parallel_loop3A_76 : i32 to vector<16xi32>
      %parallel_loop3A_78 = arith.addi %parallel_loop3A_43, %parallel_loop3A_77 : vector<16xi32>
      %parallel_loop3A_79 = tpu.vector_load_idx %arg12[%parallel_loop3A_78] : memref<30000xf32, #tpu.memory_space<vmem>>[vector<16xi32>], vector<16xf32>,
      %parallel_loop3A_80 = arith.addf %parallel_loop3A_44, %parallel_loop3A_53 : vector<16xf32>
      %parallel_loop3A_81 = arith.mulf %parallel_loop3A_62, %parallel_loop3A_71 : vector<16xf32>
      %parallel_loop3A_82 = arith.addf %parallel_loop3A_80, %parallel_loop3A_81 : vector<16xf32>
      %parallel_loop3A_83 = arith.addf %parallel_loop3A_48, %parallel_loop3A_57 : vector<16xf32>
      %parallel_loop3A_84 = arith.mulf %parallel_loop3A_66, %parallel_loop3A_75 : vector<16xf32>
      %parallel_loop3A_85 = arith.addf %parallel_loop3A_83, %parallel_loop3A_84 : vector<16xf32>
      %parallel_loop3A_86 = arith.addf %parallel_loop3A_52, %parallel_loop3A_61 : vector<16xf32>
      %parallel_loop3A_87 = arith.mulf %parallel_loop3A_70, %parallel_loop3A_79 : vector<16xf32>
      %parallel_loop3A_88 = arith.addf %parallel_loop3A_86, %parallel_loop3A_87 : vector<16xf32>
      %parallel_loop3A_89 = arith.mulf %parallel_loop3A_82, %parallel_loop3A_82 : vector<16xf32>
      %parallel_loop3A_90 = arith.mulf %parallel_loop3A_85, %parallel_loop3A_85 : vector<16xf32>
      %parallel_loop3A_91 = arith.addf %parallel_loop3A_89, %parallel_loop3A_90 : vector<16xf32>
      %parallel_loop3A_92 = arith.mulf %parallel_loop3A_88, %parallel_loop3A_88 : vector<16xf32>
      %parallel_loop3A_93 = arith.addf %parallel_loop3A_91, %parallel_loop3A_92 : vector<16xf32>
      %parallel_loop3A_94 = arith.index_cast %parallel_loop3A_24 : i32 to index
      %parallel_loop3A_95 = tpu.vector_load %arg13[%parallel_loop3A_94] {strides = array<i32>} : memref<10000xf32, #tpu.memory_space<vmem>>, vector<16xf32>,
      tpu.vector_store %arg13[%parallel_loop3A_94], %parallel_loop3A_93 {strides = array<i32>} : memref<10000xf32, #tpu.memory_space<vmem>>, vector<16xf32>,
    } {sc.loop_unroll_factor = 4 : i64, sc.parallel_access}
    "tpu.region"() ({
      %run_scoped3A = tpu.sem_alloc : memref<!tpu.dma_semaphore, #tpu.memory_space<semaphore_mem>>
      %dma_start3A_24 = tpu.memref_slice %arg8[%mul3A_2] : memref<320000xf32, #tpu.memory_space<hbm>> -> memref<10000xf32, #tpu.memory_space<hbm>>
      %dma_start3A_25 = tpu.memref_slice %arg8[%mul3A_2] : memref<320000xf32, #tpu.memory_space<hbm>> -> memref<10000xf32, #tpu.memory_space<hbm>>
      tpu.enqueue_dma source(%arg13 : memref<10000xf32, #tpu.memory_space<vmem>>) target(%dma_start3A_25 : memref<10000xf32, #tpu.memory_space<hbm>>) target_semaphore(%run_scoped3A : memref<!tpu.dma_semaphore, #tpu.memory_space<semaphore_mem>>)
      %dma_wait3A_26 = tpu.memref_slice %arg8[%mul3A_2] : memref<320000xf32, #tpu.memory_space<hbm>> -> memref<10000xf32, #tpu.memory_space<hbm>>
      %dma_wait3A_27 = tpu.memref_slice %arg8[%mul3A_2] : memref<320000xf32, #tpu.memory_space<hbm>> -> memref<10000xf32, #tpu.memory_space<hbm>>
      tpu.wait_dma2 semaphore(%run_scoped3A : memref<!tpu.dma_semaphore, #tpu.memory_space<semaphore_mem>>) src(%arg13 : memref<10000xf32, #tpu.memory_space<vmem>>) dst(%dma_wait3A_27 : memref<10000xf32, #tpu.memory_space<hbm>>)
      tpu.yield
    }) : () -> ()
    return
  }
}

#map = affine_map<(d0, d1) -> (0)>
#map1 = affine_map<(d0, d1) -> (0, 0)>
module attributes {stable_mosaic.version = 14 : i64} {
  func.func @sc_embed(%arg0: i32, %arg1: i32, %arg2: memref<10000xi32, #tpu.memory_space<hbm>>, %arg3: memref<100x128xf32, #tpu.memory_space<hbm>>, %arg4: memref<10000x128xf32, #tpu.memory_space<hbm>>, %arg5: memref<16xi32, #tpu.memory_space<vmem>>, %arg6: memref<16x128xf32, #tpu.memory_space<vmem>>, %arg7: memref<!tpu.dma_semaphore, #tpu.memory_space<semaphore_mem>>) attributes {dimension_semantics = [#tpu.dimension_semantics<core_parallel>, #tpu.dimension_semantics<subcore_parallel>], iteration_bounds = array<i64: 2, 16>, scalar_prefetch = 0 : i64, scratch_operands = 3 : i64, tpu.core_type = #tpu.core_type<sc_vector_subcore>, window_params = [{transform_indices = #map}, {transform_indices = #map1}, {transform_indices = #map1}]} {
    %mul3A = arith.constant 2 : i32
    %mul3A_0 = arith.muli %arg1, %mul3A : i32
    %add3A = arith.addi %mul3A_0, %arg0 : i32
    %mul3A_1 = arith.constant 320 : i32
    %mul3A_2 = arith.muli %add3A, %mul3A_1 : i32
    %add3A_3 = arith.constant 0 : i32
    %add3A_4 = arith.addi %mul3A_2, %add3A_3 : i32
    %add3A_5 = arith.constant 16 : i32
    %add3A_6 = arith.addi %add3A_4, %add3A_5 : i32
    %le3A = arith.constant 10000 : i32
    %le3A_7 = arith.cmpi sle, %add3A_6, %le3A : i32
    %convert_element_type3A = arith.extui %le3A_7 : i1 to i32
    %cond3A = arith.constant 0 : i32
    %cond3A_8 = arith.cmpi ne, %convert_element_type3A, %cond3A : i32
    scf.if %cond3A_8 {
      "tpu.region"() ({
        %run_scoped3A = tpu.sem_alloc : memref<!tpu.dma_semaphore, #tpu.memory_space<semaphore_mem>>
        %dma_start3A_184 = tpu.memref_slice %arg2[%add3A_4] : memref<10000xi32, #tpu.memory_space<hbm>> -> memref<16xi32, #tpu.memory_space<hbm>>
        %dma_start3A_185 = tpu.memref_slice %arg2[%add3A_4] : memref<10000xi32, #tpu.memory_space<hbm>> -> memref<16xi32, #tpu.memory_space<hbm>>
        tpu.enqueue_dma source(%dma_start3A_185 : memref<16xi32, #tpu.memory_space<hbm>>) target(%arg5 : memref<16xi32, #tpu.memory_space<vmem>>) target_semaphore(%run_scoped3A : memref<!tpu.dma_semaphore, #tpu.memory_space<semaphore_mem>>)
        %dma_wait3A_186 = tpu.memref_slice %arg2[%add3A_4] : memref<10000xi32, #tpu.memory_space<hbm>> -> memref<16xi32, #tpu.memory_space<hbm>>
        %dma_wait3A_187 = tpu.memref_slice %arg2[%add3A_4] : memref<10000xi32, #tpu.memory_space<hbm>> -> memref<16xi32, #tpu.memory_space<hbm>>
        tpu.wait_dma2 semaphore(%run_scoped3A : memref<!tpu.dma_semaphore, #tpu.memory_space<semaphore_mem>>) src(%dma_wait3A_187 : memref<16xi32, #tpu.memory_space<hbm>>) dst(%arg5 : memref<16xi32, #tpu.memory_space<vmem>>)
        tpu.yield
      }) : () -> ()
      %dma_start3A = arith.constant 0 : i32
      %dma_start3A_180 = arith.constant 0 : i32
      %dma_start3A_181 = tpu.memref_slice %arg3[%dma_start3A, %dma_start3A_180] : memref<100x128xf32, #tpu.memory_space<hbm>> -> memref<100x128xf32, #tpu.memory_space<hbm>>
      tpu.enqueue_indirect_dma source(%dma_start3A_181 : memref<100x128xf32, #tpu.memory_space<hbm>>) target(%arg6 : memref<16x128xf32, #tpu.memory_space<vmem>>) offsets(%arg5 : memref<16xi32, #tpu.memory_space<vmem>>) semaphore(%arg7 : memref<!tpu.dma_semaphore, #tpu.memory_space<semaphore_mem>>)
      %dma_wait3A = arith.constant 0 : i32
      %dma_wait3A_182 = arith.constant 0 : i32
      %dma_wait3A_183 = tpu.memref_slice %arg3[%dma_wait3A, %dma_wait3A_182] : memref<100x128xf32, #tpu.memory_space<hbm>> -> memref<100x128xf32, #tpu.memory_space<hbm>>
      tpu.wait_indirect_dma semaphore(%arg7 : memref<!tpu.dma_semaphore, #tpu.memory_space<semaphore_mem>>) src(%dma_wait3A_183 : memref<100x128xf32, #tpu.memory_space<hbm>>) dst(%arg6 : memref<16x128xf32, #tpu.memory_space<vmem>>)
      "tpu.region"() ({
        %run_scoped3A = tpu.sem_alloc : memref<!tpu.dma_semaphore, #tpu.memory_space<semaphore_mem>>
        %dma_start3A_184 = arith.constant 0 : i32
        %dma_start3A_185 = tpu.memref_slice %arg4[%add3A_4, %dma_start3A_184] : memref<10000x128xf32, #tpu.memory_space<hbm>> -> memref<16x128xf32, #tpu.memory_space<hbm>>
        %dma_start3A_186 = arith.constant 0 : i32
        %dma_start3A_187 = tpu.memref_slice %arg4[%add3A_4, %dma_start3A_186] : memref<10000x128xf32, #tpu.memory_space<hbm>> -> memref<16x128xf32, #tpu.memory_space<hbm>>
        tpu.enqueue_dma source(%arg6 : memref<16x128xf32, #tpu.memory_space<vmem>>) target(%dma_start3A_187 : memref<16x128xf32, #tpu.memory_space<hbm>>) target_semaphore(%run_scoped3A : memref<!tpu.dma_semaphore, #tpu.memory_space<semaphore_mem>>)
        %dma_wait3A_188 = arith.constant 0 : i32
        %dma_wait3A_189 = tpu.memref_slice %arg4[%add3A_4, %dma_wait3A_188] : memref<10000x128xf32, #tpu.memory_space<hbm>> -> memref<16x128xf32, #tpu.memory_space<hbm>>
        %dma_wait3A_190 = arith.constant 0 : i32
        %dma_wait3A_191 = tpu.memref_slice %arg4[%add3A_4, %dma_wait3A_190] : memref<10000x128xf32, #tpu.memory_space<hbm>> -> memref<16x128xf32, #tpu.memory_space<hbm>>
        tpu.wait_dma2 semaphore(%run_scoped3A : memref<!tpu.dma_semaphore, #tpu.memory_space<semaphore_mem>>) src(%arg6 : memref<16x128xf32, #tpu.memory_space<vmem>>) dst(%dma_wait3A_191 : memref<16x128xf32, #tpu.memory_space<hbm>>)
        tpu.yield
      }) : () -> ()
    } else {
    }
    %add3A_9 = arith.constant 16 : i32
    %add3A_10 = arith.addi %mul3A_2, %add3A_9 : i32
    %add3A_11 = arith.constant 16 : i32
    %add3A_12 = arith.addi %add3A_10, %add3A_11 : i32
    %le3A_13 = arith.constant 10000 : i32
    %le3A_14 = arith.cmpi sle, %add3A_12, %le3A_13 : i32
    %convert_element_type3A_15 = arith.extui %le3A_14 : i1 to i32
    %cond3A_16 = arith.constant 0 : i32
    %cond3A_17 = arith.cmpi ne, %convert_element_type3A_15, %cond3A_16 : i32
    scf.if %cond3A_17 {
      "tpu.region"() ({
        %run_scoped3A = tpu.sem_alloc : memref<!tpu.dma_semaphore, #tpu.memory_space<semaphore_mem>>
        %dma_start3A_184 = tpu.memref_slice %arg2[%add3A_10] : memref<10000xi32, #tpu.memory_space<hbm>> -> memref<16xi32, #tpu.memory_space<hbm>>
        %dma_start3A_185 = tpu.memref_slice %arg2[%add3A_10] : memref<10000xi32, #tpu.memory_space<hbm>> -> memref<16xi32, #tpu.memory_space<hbm>>
        tpu.enqueue_dma source(%dma_start3A_185 : memref<16xi32, #tpu.memory_space<hbm>>) target(%arg5 : memref<16xi32, #tpu.memory_space<vmem>>) target_semaphore(%run_scoped3A : memref<!tpu.dma_semaphore, #tpu.memory_space<semaphore_mem>>)
        %dma_wait3A_186 = tpu.memref_slice %arg2[%add3A_10] : memref<10000xi32, #tpu.memory_space<hbm>> -> memref<16xi32, #tpu.memory_space<hbm>>
        %dma_wait3A_187 = tpu.memref_slice %arg2[%add3A_10] : memref<10000xi32, #tpu.memory_space<hbm>> -> memref<16xi32, #tpu.memory_space<hbm>>
        tpu.wait_dma2 semaphore(%run_scoped3A : memref<!tpu.dma_semaphore, #tpu.memory_space<semaphore_mem>>) src(%dma_wait3A_187 : memref<16xi32, #tpu.memory_space<hbm>>) dst(%arg5 : memref<16xi32, #tpu.memory_space<vmem>>)
        tpu.yield
      }) : () -> ()
      %dma_start3A = arith.constant 0 : i32
      %dma_start3A_180 = arith.constant 0 : i32
      %dma_start3A_181 = tpu.memref_slice %arg3[%dma_start3A, %dma_start3A_180] : memref<100x128xf32, #tpu.memory_space<hbm>> -> memref<100x128xf32, #tpu.memory_space<hbm>>
      tpu.enqueue_indirect_dma source(%dma_start3A_181 : memref<100x128xf32, #tpu.memory_space<hbm>>) target(%arg6 : memref<16x128xf32, #tpu.memory_space<vmem>>) offsets(%arg5 : memref<16xi32, #tpu.memory_space<vmem>>) semaphore(%arg7 : memref<!tpu.dma_semaphore, #tpu.memory_space<semaphore_mem>>)
      %dma_wait3A = arith.constant 0 : i32
      %dma_wait3A_182 = arith.constant 0 : i32
      %dma_wait3A_183 = tpu.memref_slice %arg3[%dma_wait3A, %dma_wait3A_182] : memref<100x128xf32, #tpu.memory_space<hbm>> -> memref<100x128xf32, #tpu.memory_space<hbm>>
      tpu.wait_indirect_dma semaphore(%arg7 : memref<!tpu.dma_semaphore, #tpu.memory_space<semaphore_mem>>) src(%dma_wait3A_183 : memref<100x128xf32, #tpu.memory_space<hbm>>) dst(%arg6 : memref<16x128xf32, #tpu.memory_space<vmem>>)
      "tpu.region"() ({
        %run_scoped3A = tpu.sem_alloc : memref<!tpu.dma_semaphore, #tpu.memory_space<semaphore_mem>>
        %dma_start3A_184 = arith.constant 0 : i32
        %dma_start3A_185 = tpu.memref_slice %arg4[%add3A_10, %dma_start3A_184] : memref<10000x128xf32, #tpu.memory_space<hbm>> -> memref<16x128xf32, #tpu.memory_space<hbm>>
        %dma_start3A_186 = arith.constant 0 : i32
        %dma_start3A_187 = tpu.memref_slice %arg4[%add3A_10, %dma_start3A_186] : memref<10000x128xf32, #tpu.memory_space<hbm>> -> memref<16x128xf32, #tpu.memory_space<hbm>>
        tpu.enqueue_dma source(%arg6 : memref<16x128xf32, #tpu.memory_space<vmem>>) target(%dma_start3A_187 : memref<16x128xf32, #tpu.memory_space<hbm>>) target_semaphore(%run_scoped3A : memref<!tpu.dma_semaphore, #tpu.memory_space<semaphore_mem>>)
        %dma_wait3A_188 = arith.constant 0 : i32
        %dma_wait3A_189 = tpu.memref_slice %arg4[%add3A_10, %dma_wait3A_188] : memref<10000x128xf32, #tpu.memory_space<hbm>> -> memref<16x128xf32, #tpu.memory_space<hbm>>
        %dma_wait3A_190 = arith.constant 0 : i32
        %dma_wait3A_191 = tpu.memref_slice %arg4[%add3A_10, %dma_wait3A_190] : memref<10000x128xf32, #tpu.memory_space<hbm>> -> memref<16x128xf32, #tpu.memory_space<hbm>>
        tpu.wait_dma2 semaphore(%run_scoped3A : memref<!tpu.dma_semaphore, #tpu.memory_space<semaphore_mem>>) src(%arg6 : memref<16x128xf32, #tpu.memory_space<vmem>>) dst(%dma_wait3A_191 : memref<16x128xf32, #tpu.memory_space<hbm>>)
        tpu.yield
      }) : () -> ()
    } else {
    }
    %add3A_18 = arith.constant 32 : i32
    %add3A_19 = arith.addi %mul3A_2, %add3A_18 : i32
    %add3A_20 = arith.constant 16 : i32
    %add3A_21 = arith.addi %add3A_19, %add3A_20 : i32
    %le3A_22 = arith.constant 10000 : i32
    %le3A_23 = arith.cmpi sle, %add3A_21, %le3A_22 : i32
    %convert_element_type3A_24 = arith.extui %le3A_23 : i1 to i32
    %cond3A_25 = arith.constant 0 : i32
    %cond3A_26 = arith.cmpi ne, %convert_element_type3A_24, %cond3A_25 : i32
    scf.if %cond3A_26 {
      "tpu.region"() ({
        %run_scoped3A = tpu.sem_alloc : memref<!tpu.dma_semaphore, #tpu.memory_space<semaphore_mem>>
        %dma_start3A_184 = tpu.memref_slice %arg2[%add3A_19] : memref<10000xi32, #tpu.memory_space<hbm>> -> memref<16xi32, #tpu.memory_space<hbm>>
        %dma_start3A_185 = tpu.memref_slice %arg2[%add3A_19] : memref<10000xi32, #tpu.memory_space<hbm>> -> memref<16xi32, #tpu.memory_space<hbm>>
        tpu.enqueue_dma source(%dma_start3A_185 : memref<16xi32, #tpu.memory_space<hbm>>) target(%arg5 : memref<16xi32, #tpu.memory_space<vmem>>) target_semaphore(%run_scoped3A : memref<!tpu.dma_semaphore, #tpu.memory_space<semaphore_mem>>)
        %dma_wait3A_186 = tpu.memref_slice %arg2[%add3A_19] : memref<10000xi32, #tpu.memory_space<hbm>> -> memref<16xi32, #tpu.memory_space<hbm>>
        %dma_wait3A_187 = tpu.memref_slice %arg2[%add3A_19] : memref<10000xi32, #tpu.memory_space<hbm>> -> memref<16xi32, #tpu.memory_space<hbm>>
        tpu.wait_dma2 semaphore(%run_scoped3A : memref<!tpu.dma_semaphore, #tpu.memory_space<semaphore_mem>>) src(%dma_wait3A_187 : memref<16xi32, #tpu.memory_space<hbm>>) dst(%arg5 : memref<16xi32, #tpu.memory_space<vmem>>)
        tpu.yield
      }) : () -> ()
      %dma_start3A = arith.constant 0 : i32
      %dma_start3A_180 = arith.constant 0 : i32
      %dma_start3A_181 = tpu.memref_slice %arg3[%dma_start3A, %dma_start3A_180] : memref<100x128xf32, #tpu.memory_space<hbm>> -> memref<100x128xf32, #tpu.memory_space<hbm>>
      tpu.enqueue_indirect_dma source(%dma_start3A_181 : memref<100x128xf32, #tpu.memory_space<hbm>>) target(%arg6 : memref<16x128xf32, #tpu.memory_space<vmem>>) offsets(%arg5 : memref<16xi32, #tpu.memory_space<vmem>>) semaphore(%arg7 : memref<!tpu.dma_semaphore, #tpu.memory_space<semaphore_mem>>)
      %dma_wait3A = arith.constant 0 : i32
      %dma_wait3A_182 = arith.constant 0 : i32
      %dma_wait3A_183 = tpu.memref_slice %arg3[%dma_wait3A, %dma_wait3A_182] : memref<100x128xf32, #tpu.memory_space<hbm>> -> memref<100x128xf32, #tpu.memory_space<hbm>>
      tpu.wait_indirect_dma semaphore(%arg7 : memref<!tpu.dma_semaphore, #tpu.memory_space<semaphore_mem>>) src(%dma_wait3A_183 : memref<100x128xf32, #tpu.memory_space<hbm>>) dst(%arg6 : memref<16x128xf32, #tpu.memory_space<vmem>>)
      "tpu.region"() ({
        %run_scoped3A = tpu.sem_alloc : memref<!tpu.dma_semaphore, #tpu.memory_space<semaphore_mem>>
        %dma_start3A_184 = arith.constant 0 : i32
        %dma_start3A_185 = tpu.memref_slice %arg4[%add3A_19, %dma_start3A_184] : memref<10000x128xf32, #tpu.memory_space<hbm>> -> memref<16x128xf32, #tpu.memory_space<hbm>>
        %dma_start3A_186 = arith.constant 0 : i32
        %dma_start3A_187 = tpu.memref_slice %arg4[%add3A_19, %dma_start3A_186] : memref<10000x128xf32, #tpu.memory_space<hbm>> -> memref<16x128xf32, #tpu.memory_space<hbm>>
        tpu.enqueue_dma source(%arg6 : memref<16x128xf32, #tpu.memory_space<vmem>>) target(%dma_start3A_187 : memref<16x128xf32, #tpu.memory_space<hbm>>) target_semaphore(%run_scoped3A : memref<!tpu.dma_semaphore, #tpu.memory_space<semaphore_mem>>)
        %dma_wait3A_188 = arith.constant 0 : i32
        %dma_wait3A_189 = tpu.memref_slice %arg4[%add3A_19, %dma_wait3A_188] : memref<10000x128xf32, #tpu.memory_space<hbm>> -> memref<16x128xf32, #tpu.memory_space<hbm>>
        %dma_wait3A_190 = arith.constant 0 : i32
        %dma_wait3A_191 = tpu.memref_slice %arg4[%add3A_19, %dma_wait3A_190] : memref<10000x128xf32, #tpu.memory_space<hbm>> -> memref<16x128xf32, #tpu.memory_space<hbm>>
        tpu.wait_dma2 semaphore(%run_scoped3A : memref<!tpu.dma_semaphore, #tpu.memory_space<semaphore_mem>>) src(%arg6 : memref<16x128xf32, #tpu.memory_space<vmem>>) dst(%dma_wait3A_191 : memref<16x128xf32, #tpu.memory_space<hbm>>)
        tpu.yield
      }) : () -> ()
    } else {
    }
    %add3A_27 = arith.constant 48 : i32
    %add3A_28 = arith.addi %mul3A_2, %add3A_27 : i32
    %add3A_29 = arith.constant 16 : i32
    %add3A_30 = arith.addi %add3A_28, %add3A_29 : i32
    %le3A_31 = arith.constant 10000 : i32
    %le3A_32 = arith.cmpi sle, %add3A_30, %le3A_31 : i32
    %convert_element_type3A_33 = arith.extui %le3A_32 : i1 to i32
    %cond3A_34 = arith.constant 0 : i32
    %cond3A_35 = arith.cmpi ne, %convert_element_type3A_33, %cond3A_34 : i32
    scf.if %cond3A_35 {
      "tpu.region"() ({
        %run_scoped3A = tpu.sem_alloc : memref<!tpu.dma_semaphore, #tpu.memory_space<semaphore_mem>>
        %dma_start3A_184 = tpu.memref_slice %arg2[%add3A_28] : memref<10000xi32, #tpu.memory_space<hbm>> -> memref<16xi32, #tpu.memory_space<hbm>>
        %dma_start3A_185 = tpu.memref_slice %arg2[%add3A_28] : memref<10000xi32, #tpu.memory_space<hbm>> -> memref<16xi32, #tpu.memory_space<hbm>>
        tpu.enqueue_dma source(%dma_start3A_185 : memref<16xi32, #tpu.memory_space<hbm>>) target(%arg5 : memref<16xi32, #tpu.memory_space<vmem>>) target_semaphore(%run_scoped3A : memref<!tpu.dma_semaphore, #tpu.memory_space<semaphore_mem>>)
        %dma_wait3A_186 = tpu.memref_slice %arg2[%add3A_28] : memref<10000xi32, #tpu.memory_space<hbm>> -> memref<16xi32, #tpu.memory_space<hbm>>
        %dma_wait3A_187 = tpu.memref_slice %arg2[%add3A_28] : memref<10000xi32, #tpu.memory_space<hbm>> -> memref<16xi32, #tpu.memory_space<hbm>>
        tpu.wait_dma2 semaphore(%run_scoped3A : memref<!tpu.dma_semaphore, #tpu.memory_space<semaphore_mem>>) src(%dma_wait3A_187 : memref<16xi32, #tpu.memory_space<hbm>>) dst(%arg5 : memref<16xi32, #tpu.memory_space<vmem>>)
        tpu.yield
      }) : () -> ()
      %dma_start3A = arith.constant 0 : i32
      %dma_start3A_180 = arith.constant 0 : i32
      %dma_start3A_181 = tpu.memref_slice %arg3[%dma_start3A, %dma_start3A_180] : memref<100x128xf32, #tpu.memory_space<hbm>> -> memref<100x128xf32, #tpu.memory_space<hbm>>
      tpu.enqueue_indirect_dma source(%dma_start3A_181 : memref<100x128xf32, #tpu.memory_space<hbm>>) target(%arg6 : memref<16x128xf32, #tpu.memory_space<vmem>>) offsets(%arg5 : memref<16xi32, #tpu.memory_space<vmem>>) semaphore(%arg7 : memref<!tpu.dma_semaphore, #tpu.memory_space<semaphore_mem>>)
      %dma_wait3A = arith.constant 0 : i32
      %dma_wait3A_182 = arith.constant 0 : i32
      %dma_wait3A_183 = tpu.memref_slice %arg3[%dma_wait3A, %dma_wait3A_182] : memref<100x128xf32, #tpu.memory_space<hbm>> -> memref<100x128xf32, #tpu.memory_space<hbm>>
      tpu.wait_indirect_dma semaphore(%arg7 : memref<!tpu.dma_semaphore, #tpu.memory_space<semaphore_mem>>) src(%dma_wait3A_183 : memref<100x128xf32, #tpu.memory_space<hbm>>) dst(%arg6 : memref<16x128xf32, #tpu.memory_space<vmem>>)
      "tpu.region"() ({
        %run_scoped3A = tpu.sem_alloc : memref<!tpu.dma_semaphore, #tpu.memory_space<semaphore_mem>>
        %dma_start3A_184 = arith.constant 0 : i32
        %dma_start3A_185 = tpu.memref_slice %arg4[%add3A_28, %dma_start3A_184] : memref<10000x128xf32, #tpu.memory_space<hbm>> -> memref<16x128xf32, #tpu.memory_space<hbm>>
        %dma_start3A_186 = arith.constant 0 : i32
        %dma_start3A_187 = tpu.memref_slice %arg4[%add3A_28, %dma_start3A_186] : memref<10000x128xf32, #tpu.memory_space<hbm>> -> memref<16x128xf32, #tpu.memory_space<hbm>>
        tpu.enqueue_dma source(%arg6 : memref<16x128xf32, #tpu.memory_space<vmem>>) target(%dma_start3A_187 : memref<16x128xf32, #tpu.memory_space<hbm>>) target_semaphore(%run_scoped3A : memref<!tpu.dma_semaphore, #tpu.memory_space<semaphore_mem>>)
        %dma_wait3A_188 = arith.constant 0 : i32
        %dma_wait3A_189 = tpu.memref_slice %arg4[%add3A_28, %dma_wait3A_188] : memref<10000x128xf32, #tpu.memory_space<hbm>> -> memref<16x128xf32, #tpu.memory_space<hbm>>
        %dma_wait3A_190 = arith.constant 0 : i32
        %dma_wait3A_191 = tpu.memref_slice %arg4[%add3A_28, %dma_wait3A_190] : memref<10000x128xf32, #tpu.memory_space<hbm>> -> memref<16x128xf32, #tpu.memory_space<hbm>>
        tpu.wait_dma2 semaphore(%run_scoped3A : memref<!tpu.dma_semaphore, #tpu.memory_space<semaphore_mem>>) src(%arg6 : memref<16x128xf32, #tpu.memory_space<vmem>>) dst(%dma_wait3A_191 : memref<16x128xf32, #tpu.memory_space<hbm>>)
        tpu.yield
      }) : () -> ()
    } else {
    }
    %add3A_36 = arith.constant 64 : i32
    %add3A_37 = arith.addi %mul3A_2, %add3A_36 : i32
    %add3A_38 = arith.constant 16 : i32
    %add3A_39 = arith.addi %add3A_37, %add3A_38 : i32
    %le3A_40 = arith.constant 10000 : i32
    %le3A_41 = arith.cmpi sle, %add3A_39, %le3A_40 : i32
    %convert_element_type3A_42 = arith.extui %le3A_41 : i1 to i32
    %cond3A_43 = arith.constant 0 : i32
    %cond3A_44 = arith.cmpi ne, %convert_element_type3A_42, %cond3A_43 : i32
    scf.if %cond3A_44 {
      "tpu.region"() ({
        %run_scoped3A = tpu.sem_alloc : memref<!tpu.dma_semaphore, #tpu.memory_space<semaphore_mem>>
        %dma_start3A_184 = tpu.memref_slice %arg2[%add3A_37] : memref<10000xi32, #tpu.memory_space<hbm>> -> memref<16xi32, #tpu.memory_space<hbm>>
        %dma_start3A_185 = tpu.memref_slice %arg2[%add3A_37] : memref<10000xi32, #tpu.memory_space<hbm>> -> memref<16xi32, #tpu.memory_space<hbm>>
        tpu.enqueue_dma source(%dma_start3A_185 : memref<16xi32, #tpu.memory_space<hbm>>) target(%arg5 : memref<16xi32, #tpu.memory_space<vmem>>) target_semaphore(%run_scoped3A : memref<!tpu.dma_semaphore, #tpu.memory_space<semaphore_mem>>)
        %dma_wait3A_186 = tpu.memref_slice %arg2[%add3A_37] : memref<10000xi32, #tpu.memory_space<hbm>> -> memref<16xi32, #tpu.memory_space<hbm>>
        %dma_wait3A_187 = tpu.memref_slice %arg2[%add3A_37] : memref<10000xi32, #tpu.memory_space<hbm>> -> memref<16xi32, #tpu.memory_space<hbm>>
        tpu.wait_dma2 semaphore(%run_scoped3A : memref<!tpu.dma_semaphore, #tpu.memory_space<semaphore_mem>>) src(%dma_wait3A_187 : memref<16xi32, #tpu.memory_space<hbm>>) dst(%arg5 : memref<16xi32, #tpu.memory_space<vmem>>)
        tpu.yield
      }) : () -> ()
      %dma_start3A = arith.constant 0 : i32
      %dma_start3A_180 = arith.constant 0 : i32
      %dma_start3A_181 = tpu.memref_slice %arg3[%dma_start3A, %dma_start3A_180] : memref<100x128xf32, #tpu.memory_space<hbm>> -> memref<100x128xf32, #tpu.memory_space<hbm>>
      tpu.enqueue_indirect_dma source(%dma_start3A_181 : memref<100x128xf32, #tpu.memory_space<hbm>>) target(%arg6 : memref<16x128xf32, #tpu.memory_space<vmem>>) offsets(%arg5 : memref<16xi32, #tpu.memory_space<vmem>>) semaphore(%arg7 : memref<!tpu.dma_semaphore, #tpu.memory_space<semaphore_mem>>)
      %dma_wait3A = arith.constant 0 : i32
      %dma_wait3A_182 = arith.constant 0 : i32
      %dma_wait3A_183 = tpu.memref_slice %arg3[%dma_wait3A, %dma_wait3A_182] : memref<100x128xf32, #tpu.memory_space<hbm>> -> memref<100x128xf32, #tpu.memory_space<hbm>>
      tpu.wait_indirect_dma semaphore(%arg7 : memref<!tpu.dma_semaphore, #tpu.memory_space<semaphore_mem>>) src(%dma_wait3A_183 : memref<100x128xf32, #tpu.memory_space<hbm>>) dst(%arg6 : memref<16x128xf32, #tpu.memory_space<vmem>>)
      "tpu.region"() ({
        %run_scoped3A = tpu.sem_alloc : memref<!tpu.dma_semaphore, #tpu.memory_space<semaphore_mem>>
        %dma_start3A_184 = arith.constant 0 : i32
        %dma_start3A_185 = tpu.memref_slice %arg4[%add3A_37, %dma_start3A_184] : memref<10000x128xf32, #tpu.memory_space<hbm>> -> memref<16x128xf32, #tpu.memory_space<hbm>>
        %dma_start3A_186 = arith.constant 0 : i32
        %dma_start3A_187 = tpu.memref_slice %arg4[%add3A_37, %dma_start3A_186] : memref<10000x128xf32, #tpu.memory_space<hbm>> -> memref<16x128xf32, #tpu.memory_space<hbm>>
        tpu.enqueue_dma source(%arg6 : memref<16x128xf32, #tpu.memory_space<vmem>>) target(%dma_start3A_187 : memref<16x128xf32, #tpu.memory_space<hbm>>) target_semaphore(%run_scoped3A : memref<!tpu.dma_semaphore, #tpu.memory_space<semaphore_mem>>)
        %dma_wait3A_188 = arith.constant 0 : i32
        %dma_wait3A_189 = tpu.memref_slice %arg4[%add3A_37, %dma_wait3A_188] : memref<10000x128xf32, #tpu.memory_space<hbm>> -> memref<16x128xf32, #tpu.memory_space<hbm>>
        %dma_wait3A_190 = arith.constant 0 : i32
        %dma_wait3A_191 = tpu.memref_slice %arg4[%add3A_37, %dma_wait3A_190] : memref<10000x128xf32, #tpu.memory_space<hbm>> -> memref<16x128xf32, #tpu.memory_space<hbm>>
        tpu.wait_dma2 semaphore(%run_scoped3A : memref<!tpu.dma_semaphore, #tpu.memory_space<semaphore_mem>>) src(%arg6 : memref<16x128xf32, #tpu.memory_space<vmem>>) dst(%dma_wait3A_191 : memref<16x128xf32, #tpu.memory_space<hbm>>)
        tpu.yield
      }) : () -> ()
    } else {
    }
    %add3A_45 = arith.constant 80 : i32
    %add3A_46 = arith.addi %mul3A_2, %add3A_45 : i32
    %add3A_47 = arith.constant 16 : i32
    %add3A_48 = arith.addi %add3A_46, %add3A_47 : i32
    %le3A_49 = arith.constant 10000 : i32
    %le3A_50 = arith.cmpi sle, %add3A_48, %le3A_49 : i32
    %convert_element_type3A_51 = arith.extui %le3A_50 : i1 to i32
    %cond3A_52 = arith.constant 0 : i32
    %cond3A_53 = arith.cmpi ne, %convert_element_type3A_51, %cond3A_52 : i32
    scf.if %cond3A_53 {
      "tpu.region"() ({
        %run_scoped3A = tpu.sem_alloc : memref<!tpu.dma_semaphore, #tpu.memory_space<semaphore_mem>>
        %dma_start3A_184 = tpu.memref_slice %arg2[%add3A_46] : memref<10000xi32, #tpu.memory_space<hbm>> -> memref<16xi32, #tpu.memory_space<hbm>>
        %dma_start3A_185 = tpu.memref_slice %arg2[%add3A_46] : memref<10000xi32, #tpu.memory_space<hbm>> -> memref<16xi32, #tpu.memory_space<hbm>>
        tpu.enqueue_dma source(%dma_start3A_185 : memref<16xi32, #tpu.memory_space<hbm>>) target(%arg5 : memref<16xi32, #tpu.memory_space<vmem>>) target_semaphore(%run_scoped3A : memref<!tpu.dma_semaphore, #tpu.memory_space<semaphore_mem>>)
        %dma_wait3A_186 = tpu.memref_slice %arg2[%add3A_46] : memref<10000xi32, #tpu.memory_space<hbm>> -> memref<16xi32, #tpu.memory_space<hbm>>
        %dma_wait3A_187 = tpu.memref_slice %arg2[%add3A_46] : memref<10000xi32, #tpu.memory_space<hbm>> -> memref<16xi32, #tpu.memory_space<hbm>>
        tpu.wait_dma2 semaphore(%run_scoped3A : memref<!tpu.dma_semaphore, #tpu.memory_space<semaphore_mem>>) src(%dma_wait3A_187 : memref<16xi32, #tpu.memory_space<hbm>>) dst(%arg5 : memref<16xi32, #tpu.memory_space<vmem>>)
        tpu.yield
      }) : () -> ()
      %dma_start3A = arith.constant 0 : i32
      %dma_start3A_180 = arith.constant 0 : i32
      %dma_start3A_181 = tpu.memref_slice %arg3[%dma_start3A, %dma_start3A_180] : memref<100x128xf32, #tpu.memory_space<hbm>> -> memref<100x128xf32, #tpu.memory_space<hbm>>
      tpu.enqueue_indirect_dma source(%dma_start3A_181 : memref<100x128xf32, #tpu.memory_space<hbm>>) target(%arg6 : memref<16x128xf32, #tpu.memory_space<vmem>>) offsets(%arg5 : memref<16xi32, #tpu.memory_space<vmem>>) semaphore(%arg7 : memref<!tpu.dma_semaphore, #tpu.memory_space<semaphore_mem>>)
      %dma_wait3A = arith.constant 0 : i32
      %dma_wait3A_182 = arith.constant 0 : i32
      %dma_wait3A_183 = tpu.memref_slice %arg3[%dma_wait3A, %dma_wait3A_182] : memref<100x128xf32, #tpu.memory_space<hbm>> -> memref<100x128xf32, #tpu.memory_space<hbm>>
      tpu.wait_indirect_dma semaphore(%arg7 : memref<!tpu.dma_semaphore, #tpu.memory_space<semaphore_mem>>) src(%dma_wait3A_183 : memref<100x128xf32, #tpu.memory_space<hbm>>) dst(%arg6 : memref<16x128xf32, #tpu.memory_space<vmem>>)
      "tpu.region"() ({
        %run_scoped3A = tpu.sem_alloc : memref<!tpu.dma_semaphore, #tpu.memory_space<semaphore_mem>>
        %dma_start3A_184 = arith.constant 0 : i32
        %dma_start3A_185 = tpu.memref_slice %arg4[%add3A_46, %dma_start3A_184] : memref<10000x128xf32, #tpu.memory_space<hbm>> -> memref<16x128xf32, #tpu.memory_space<hbm>>
        %dma_start3A_186 = arith.constant 0 : i32
        %dma_start3A_187 = tpu.memref_slice %arg4[%add3A_46, %dma_start3A_186] : memref<10000x128xf32, #tpu.memory_space<hbm>> -> memref<16x128xf32, #tpu.memory_space<hbm>>
        tpu.enqueue_dma source(%arg6 : memref<16x128xf32, #tpu.memory_space<vmem>>) target(%dma_start3A_187 : memref<16x128xf32, #tpu.memory_space<hbm>>) target_semaphore(%run_scoped3A : memref<!tpu.dma_semaphore, #tpu.memory_space<semaphore_mem>>)
        %dma_wait3A_188 = arith.constant 0 : i32
        %dma_wait3A_189 = tpu.memref_slice %arg4[%add3A_46, %dma_wait3A_188] : memref<10000x128xf32, #tpu.memory_space<hbm>> -> memref<16x128xf32, #tpu.memory_space<hbm>>
        %dma_wait3A_190 = arith.constant 0 : i32
        %dma_wait3A_191 = tpu.memref_slice %arg4[%add3A_46, %dma_wait3A_190] : memref<10000x128xf32, #tpu.memory_space<hbm>> -> memref<16x128xf32, #tpu.memory_space<hbm>>
        tpu.wait_dma2 semaphore(%run_scoped3A : memref<!tpu.dma_semaphore, #tpu.memory_space<semaphore_mem>>) src(%arg6 : memref<16x128xf32, #tpu.memory_space<vmem>>) dst(%dma_wait3A_191 : memref<16x128xf32, #tpu.memory_space<hbm>>)
        tpu.yield
      }) : () -> ()
    } else {
    }
    %add3A_54 = arith.constant 96 : i32
    %add3A_55 = arith.addi %mul3A_2, %add3A_54 : i32
    %add3A_56 = arith.constant 16 : i32
    %add3A_57 = arith.addi %add3A_55, %add3A_56 : i32
    %le3A_58 = arith.constant 10000 : i32
    %le3A_59 = arith.cmpi sle, %add3A_57, %le3A_58 : i32
    %convert_element_type3A_60 = arith.extui %le3A_59 : i1 to i32
    %cond3A_61 = arith.constant 0 : i32
    %cond3A_62 = arith.cmpi ne, %convert_element_type3A_60, %cond3A_61 : i32
    scf.if %cond3A_62 {
      "tpu.region"() ({
        %run_scoped3A = tpu.sem_alloc : memref<!tpu.dma_semaphore, #tpu.memory_space<semaphore_mem>>
        %dma_start3A_184 = tpu.memref_slice %arg2[%add3A_55] : memref<10000xi32, #tpu.memory_space<hbm>> -> memref<16xi32, #tpu.memory_space<hbm>>
        %dma_start3A_185 = tpu.memref_slice %arg2[%add3A_55] : memref<10000xi32, #tpu.memory_space<hbm>> -> memref<16xi32, #tpu.memory_space<hbm>>
        tpu.enqueue_dma source(%dma_start3A_185 : memref<16xi32, #tpu.memory_space<hbm>>) target(%arg5 : memref<16xi32, #tpu.memory_space<vmem>>) target_semaphore(%run_scoped3A : memref<!tpu.dma_semaphore, #tpu.memory_space<semaphore_mem>>)
        %dma_wait3A_186 = tpu.memref_slice %arg2[%add3A_55] : memref<10000xi32, #tpu.memory_space<hbm>> -> memref<16xi32, #tpu.memory_space<hbm>>
        %dma_wait3A_187 = tpu.memref_slice %arg2[%add3A_55] : memref<10000xi32, #tpu.memory_space<hbm>> -> memref<16xi32, #tpu.memory_space<hbm>>
        tpu.wait_dma2 semaphore(%run_scoped3A : memref<!tpu.dma_semaphore, #tpu.memory_space<semaphore_mem>>) src(%dma_wait3A_187 : memref<16xi32, #tpu.memory_space<hbm>>) dst(%arg5 : memref<16xi32, #tpu.memory_space<vmem>>)
        tpu.yield
      }) : () -> ()
      %dma_start3A = arith.constant 0 : i32
      %dma_start3A_180 = arith.constant 0 : i32
      %dma_start3A_181 = tpu.memref_slice %arg3[%dma_start3A, %dma_start3A_180] : memref<100x128xf32, #tpu.memory_space<hbm>> -> memref<100x128xf32, #tpu.memory_space<hbm>>
      tpu.enqueue_indirect_dma source(%dma_start3A_181 : memref<100x128xf32, #tpu.memory_space<hbm>>) target(%arg6 : memref<16x128xf32, #tpu.memory_space<vmem>>) offsets(%arg5 : memref<16xi32, #tpu.memory_space<vmem>>) semaphore(%arg7 : memref<!tpu.dma_semaphore, #tpu.memory_space<semaphore_mem>>)
      %dma_wait3A = arith.constant 0 : i32
      %dma_wait3A_182 = arith.constant 0 : i32
      %dma_wait3A_183 = tpu.memref_slice %arg3[%dma_wait3A, %dma_wait3A_182] : memref<100x128xf32, #tpu.memory_space<hbm>> -> memref<100x128xf32, #tpu.memory_space<hbm>>
      tpu.wait_indirect_dma semaphore(%arg7 : memref<!tpu.dma_semaphore, #tpu.memory_space<semaphore_mem>>) src(%dma_wait3A_183 : memref<100x128xf32, #tpu.memory_space<hbm>>) dst(%arg6 : memref<16x128xf32, #tpu.memory_space<vmem>>)
      "tpu.region"() ({
        %run_scoped3A = tpu.sem_alloc : memref<!tpu.dma_semaphore, #tpu.memory_space<semaphore_mem>>
        %dma_start3A_184 = arith.constant 0 : i32
        %dma_start3A_185 = tpu.memref_slice %arg4[%add3A_55, %dma_start3A_184] : memref<10000x128xf32, #tpu.memory_space<hbm>> -> memref<16x128xf32, #tpu.memory_space<hbm>>
        %dma_start3A_186 = arith.constant 0 : i32
        %dma_start3A_187 = tpu.memref_slice %arg4[%add3A_55, %dma_start3A_186] : memref<10000x128xf32, #tpu.memory_space<hbm>> -> memref<16x128xf32, #tpu.memory_space<hbm>>
        tpu.enqueue_dma source(%arg6 : memref<16x128xf32, #tpu.memory_space<vmem>>) target(%dma_start3A_187 : memref<16x128xf32, #tpu.memory_space<hbm>>) target_semaphore(%run_scoped3A : memref<!tpu.dma_semaphore, #tpu.memory_space<semaphore_mem>>)
        %dma_wait3A_188 = arith.constant 0 : i32
        %dma_wait3A_189 = tpu.memref_slice %arg4[%add3A_55, %dma_wait3A_188] : memref<10000x128xf32, #tpu.memory_space<hbm>> -> memref<16x128xf32, #tpu.memory_space<hbm>>
        %dma_wait3A_190 = arith.constant 0 : i32
        %dma_wait3A_191 = tpu.memref_slice %arg4[%add3A_55, %dma_wait3A_190] : memref<10000x128xf32, #tpu.memory_space<hbm>> -> memref<16x128xf32, #tpu.memory_space<hbm>>
        tpu.wait_dma2 semaphore(%run_scoped3A : memref<!tpu.dma_semaphore, #tpu.memory_space<semaphore_mem>>) src(%arg6 : memref<16x128xf32, #tpu.memory_space<vmem>>) dst(%dma_wait3A_191 : memref<16x128xf32, #tpu.memory_space<hbm>>)
        tpu.yield
      }) : () -> ()
    } else {
    }
    %add3A_63 = arith.constant 112 : i32
    %add3A_64 = arith.addi %mul3A_2, %add3A_63 : i32
    %add3A_65 = arith.constant 16 : i32
    %add3A_66 = arith.addi %add3A_64, %add3A_65 : i32
    %le3A_67 = arith.constant 10000 : i32
    %le3A_68 = arith.cmpi sle, %add3A_66, %le3A_67 : i32
    %convert_element_type3A_69 = arith.extui %le3A_68 : i1 to i32
    %cond3A_70 = arith.constant 0 : i32
    %cond3A_71 = arith.cmpi ne, %convert_element_type3A_69, %cond3A_70 : i32
    scf.if %cond3A_71 {
      "tpu.region"() ({
        %run_scoped3A = tpu.sem_alloc : memref<!tpu.dma_semaphore, #tpu.memory_space<semaphore_mem>>
        %dma_start3A_184 = tpu.memref_slice %arg2[%add3A_64] : memref<10000xi32, #tpu.memory_space<hbm>> -> memref<16xi32, #tpu.memory_space<hbm>>
        %dma_start3A_185 = tpu.memref_slice %arg2[%add3A_64] : memref<10000xi32, #tpu.memory_space<hbm>> -> memref<16xi32, #tpu.memory_space<hbm>>
        tpu.enqueue_dma source(%dma_start3A_185 : memref<16xi32, #tpu.memory_space<hbm>>) target(%arg5 : memref<16xi32, #tpu.memory_space<vmem>>) target_semaphore(%run_scoped3A : memref<!tpu.dma_semaphore, #tpu.memory_space<semaphore_mem>>)
        %dma_wait3A_186 = tpu.memref_slice %arg2[%add3A_64] : memref<10000xi32, #tpu.memory_space<hbm>> -> memref<16xi32, #tpu.memory_space<hbm>>
        %dma_wait3A_187 = tpu.memref_slice %arg2[%add3A_64] : memref<10000xi32, #tpu.memory_space<hbm>> -> memref<16xi32, #tpu.memory_space<hbm>>
        tpu.wait_dma2 semaphore(%run_scoped3A : memref<!tpu.dma_semaphore, #tpu.memory_space<semaphore_mem>>) src(%dma_wait3A_187 : memref<16xi32, #tpu.memory_space<hbm>>) dst(%arg5 : memref<16xi32, #tpu.memory_space<vmem>>)
        tpu.yield
      }) : () -> ()
      %dma_start3A = arith.constant 0 : i32
      %dma_start3A_180 = arith.constant 0 : i32
      %dma_start3A_181 = tpu.memref_slice %arg3[%dma_start3A, %dma_start3A_180] : memref<100x128xf32, #tpu.memory_space<hbm>> -> memref<100x128xf32, #tpu.memory_space<hbm>>
      tpu.enqueue_indirect_dma source(%dma_start3A_181 : memref<100x128xf32, #tpu.memory_space<hbm>>) target(%arg6 : memref<16x128xf32, #tpu.memory_space<vmem>>) offsets(%arg5 : memref<16xi32, #tpu.memory_space<vmem>>) semaphore(%arg7 : memref<!tpu.dma_semaphore, #tpu.memory_space<semaphore_mem>>)
      %dma_wait3A = arith.constant 0 : i32
      %dma_wait3A_182 = arith.constant 0 : i32
      %dma_wait3A_183 = tpu.memref_slice %arg3[%dma_wait3A, %dma_wait3A_182] : memref<100x128xf32, #tpu.memory_space<hbm>> -> memref<100x128xf32, #tpu.memory_space<hbm>>
      tpu.wait_indirect_dma semaphore(%arg7 : memref<!tpu.dma_semaphore, #tpu.memory_space<semaphore_mem>>) src(%dma_wait3A_183 : memref<100x128xf32, #tpu.memory_space<hbm>>) dst(%arg6 : memref<16x128xf32, #tpu.memory_space<vmem>>)
      "tpu.region"() ({
        %run_scoped3A = tpu.sem_alloc : memref<!tpu.dma_semaphore, #tpu.memory_space<semaphore_mem>>
        %dma_start3A_184 = arith.constant 0 : i32
        %dma_start3A_185 = tpu.memref_slice %arg4[%add3A_64, %dma_start3A_184] : memref<10000x128xf32, #tpu.memory_space<hbm>> -> memref<16x128xf32, #tpu.memory_space<hbm>>
        %dma_start3A_186 = arith.constant 0 : i32
        %dma_start3A_187 = tpu.memref_slice %arg4[%add3A_64, %dma_start3A_186] : memref<10000x128xf32, #tpu.memory_space<hbm>> -> memref<16x128xf32, #tpu.memory_space<hbm>>
        tpu.enqueue_dma source(%arg6 : memref<16x128xf32, #tpu.memory_space<vmem>>) target(%dma_start3A_187 : memref<16x128xf32, #tpu.memory_space<hbm>>) target_semaphore(%run_scoped3A : memref<!tpu.dma_semaphore, #tpu.memory_space<semaphore_mem>>)
        %dma_wait3A_188 = arith.constant 0 : i32
        %dma_wait3A_189 = tpu.memref_slice %arg4[%add3A_64, %dma_wait3A_188] : memref<10000x128xf32, #tpu.memory_space<hbm>> -> memref<16x128xf32, #tpu.memory_space<hbm>>
        %dma_wait3A_190 = arith.constant 0 : i32
        %dma_wait3A_191 = tpu.memref_slice %arg4[%add3A_64, %dma_wait3A_190] : memref<10000x128xf32, #tpu.memory_space<hbm>> -> memref<16x128xf32, #tpu.memory_space<hbm>>
        tpu.wait_dma2 semaphore(%run_scoped3A : memref<!tpu.dma_semaphore, #tpu.memory_space<semaphore_mem>>) src(%arg6 : memref<16x128xf32, #tpu.memory_space<vmem>>) dst(%dma_wait3A_191 : memref<16x128xf32, #tpu.memory_space<hbm>>)
        tpu.yield
      }) : () -> ()
    } else {
    }
    %add3A_72 = arith.constant 128 : i32
    %add3A_73 = arith.addi %mul3A_2, %add3A_72 : i32
    %add3A_74 = arith.constant 16 : i32
    %add3A_75 = arith.addi %add3A_73, %add3A_74 : i32
    %le3A_76 = arith.constant 10000 : i32
    %le3A_77 = arith.cmpi sle, %add3A_75, %le3A_76 : i32
    %convert_element_type3A_78 = arith.extui %le3A_77 : i1 to i32
    %cond3A_79 = arith.constant 0 : i32
    %cond3A_80 = arith.cmpi ne, %convert_element_type3A_78, %cond3A_79 : i32
    scf.if %cond3A_80 {
      "tpu.region"() ({
        %run_scoped3A = tpu.sem_alloc : memref<!tpu.dma_semaphore, #tpu.memory_space<semaphore_mem>>
        %dma_start3A_184 = tpu.memref_slice %arg2[%add3A_73] : memref<10000xi32, #tpu.memory_space<hbm>> -> memref<16xi32, #tpu.memory_space<hbm>>
        %dma_start3A_185 = tpu.memref_slice %arg2[%add3A_73] : memref<10000xi32, #tpu.memory_space<hbm>> -> memref<16xi32, #tpu.memory_space<hbm>>
        tpu.enqueue_dma source(%dma_start3A_185 : memref<16xi32, #tpu.memory_space<hbm>>) target(%arg5 : memref<16xi32, #tpu.memory_space<vmem>>) target_semaphore(%run_scoped3A : memref<!tpu.dma_semaphore, #tpu.memory_space<semaphore_mem>>)
        %dma_wait3A_186 = tpu.memref_slice %arg2[%add3A_73] : memref<10000xi32, #tpu.memory_space<hbm>> -> memref<16xi32, #tpu.memory_space<hbm>>
        %dma_wait3A_187 = tpu.memref_slice %arg2[%add3A_73] : memref<10000xi32, #tpu.memory_space<hbm>> -> memref<16xi32, #tpu.memory_space<hbm>>
        tpu.wait_dma2 semaphore(%run_scoped3A : memref<!tpu.dma_semaphore, #tpu.memory_space<semaphore_mem>>) src(%dma_wait3A_187 : memref<16xi32, #tpu.memory_space<hbm>>) dst(%arg5 : memref<16xi32, #tpu.memory_space<vmem>>)
        tpu.yield
      }) : () -> ()
      %dma_start3A = arith.constant 0 : i32
      %dma_start3A_180 = arith.constant 0 : i32
      %dma_start3A_181 = tpu.memref_slice %arg3[%dma_start3A, %dma_start3A_180] : memref<100x128xf32, #tpu.memory_space<hbm>> -> memref<100x128xf32, #tpu.memory_space<hbm>>
      tpu.enqueue_indirect_dma source(%dma_start3A_181 : memref<100x128xf32, #tpu.memory_space<hbm>>) target(%arg6 : memref<16x128xf32, #tpu.memory_space<vmem>>) offsets(%arg5 : memref<16xi32, #tpu.memory_space<vmem>>) semaphore(%arg7 : memref<!tpu.dma_semaphore, #tpu.memory_space<semaphore_mem>>)
      %dma_wait3A = arith.constant 0 : i32
      %dma_wait3A_182 = arith.constant 0 : i32
      %dma_wait3A_183 = tpu.memref_slice %arg3[%dma_wait3A, %dma_wait3A_182] : memref<100x128xf32, #tpu.memory_space<hbm>> -> memref<100x128xf32, #tpu.memory_space<hbm>>
      tpu.wait_indirect_dma semaphore(%arg7 : memref<!tpu.dma_semaphore, #tpu.memory_space<semaphore_mem>>) src(%dma_wait3A_183 : memref<100x128xf32, #tpu.memory_space<hbm>>) dst(%arg6 : memref<16x128xf32, #tpu.memory_space<vmem>>)
      "tpu.region"() ({
        %run_scoped3A = tpu.sem_alloc : memref<!tpu.dma_semaphore, #tpu.memory_space<semaphore_mem>>
        %dma_start3A_184 = arith.constant 0 : i32
        %dma_start3A_185 = tpu.memref_slice %arg4[%add3A_73, %dma_start3A_184] : memref<10000x128xf32, #tpu.memory_space<hbm>> -> memref<16x128xf32, #tpu.memory_space<hbm>>
        %dma_start3A_186 = arith.constant 0 : i32
        %dma_start3A_187 = tpu.memref_slice %arg4[%add3A_73, %dma_start3A_186] : memref<10000x128xf32, #tpu.memory_space<hbm>> -> memref<16x128xf32, #tpu.memory_space<hbm>>
        tpu.enqueue_dma source(%arg6 : memref<16x128xf32, #tpu.memory_space<vmem>>) target(%dma_start3A_187 : memref<16x128xf32, #tpu.memory_space<hbm>>) target_semaphore(%run_scoped3A : memref<!tpu.dma_semaphore, #tpu.memory_space<semaphore_mem>>)
        %dma_wait3A_188 = arith.constant 0 : i32
        %dma_wait3A_189 = tpu.memref_slice %arg4[%add3A_73, %dma_wait3A_188] : memref<10000x128xf32, #tpu.memory_space<hbm>> -> memref<16x128xf32, #tpu.memory_space<hbm>>
        %dma_wait3A_190 = arith.constant 0 : i32
        %dma_wait3A_191 = tpu.memref_slice %arg4[%add3A_73, %dma_wait3A_190] : memref<10000x128xf32, #tpu.memory_space<hbm>> -> memref<16x128xf32, #tpu.memory_space<hbm>>
        tpu.wait_dma2 semaphore(%run_scoped3A : memref<!tpu.dma_semaphore, #tpu.memory_space<semaphore_mem>>) src(%arg6 : memref<16x128xf32, #tpu.memory_space<vmem>>) dst(%dma_wait3A_191 : memref<16x128xf32, #tpu.memory_space<hbm>>)
        tpu.yield
      }) : () -> ()
    } else {
    }
    %add3A_81 = arith.constant 144 : i32
    %add3A_82 = arith.addi %mul3A_2, %add3A_81 : i32
    %add3A_83 = arith.constant 16 : i32
    %add3A_84 = arith.addi %add3A_82, %add3A_83 : i32
    %le3A_85 = arith.constant 10000 : i32
    %le3A_86 = arith.cmpi sle, %add3A_84, %le3A_85 : i32
    %convert_element_type3A_87 = arith.extui %le3A_86 : i1 to i32
    %cond3A_88 = arith.constant 0 : i32
    %cond3A_89 = arith.cmpi ne, %convert_element_type3A_87, %cond3A_88 : i32
    scf.if %cond3A_89 {
      "tpu.region"() ({
        %run_scoped3A = tpu.sem_alloc : memref<!tpu.dma_semaphore, #tpu.memory_space<semaphore_mem>>
        %dma_start3A_184 = tpu.memref_slice %arg2[%add3A_82] : memref<10000xi32, #tpu.memory_space<hbm>> -> memref<16xi32, #tpu.memory_space<hbm>>
        %dma_start3A_185 = tpu.memref_slice %arg2[%add3A_82] : memref<10000xi32, #tpu.memory_space<hbm>> -> memref<16xi32, #tpu.memory_space<hbm>>
        tpu.enqueue_dma source(%dma_start3A_185 : memref<16xi32, #tpu.memory_space<hbm>>) target(%arg5 : memref<16xi32, #tpu.memory_space<vmem>>) target_semaphore(%run_scoped3A : memref<!tpu.dma_semaphore, #tpu.memory_space<semaphore_mem>>)
        %dma_wait3A_186 = tpu.memref_slice %arg2[%add3A_82] : memref<10000xi32, #tpu.memory_space<hbm>> -> memref<16xi32, #tpu.memory_space<hbm>>
        %dma_wait3A_187 = tpu.memref_slice %arg2[%add3A_82] : memref<10000xi32, #tpu.memory_space<hbm>> -> memref<16xi32, #tpu.memory_space<hbm>>
        tpu.wait_dma2 semaphore(%run_scoped3A : memref<!tpu.dma_semaphore, #tpu.memory_space<semaphore_mem>>) src(%dma_wait3A_187 : memref<16xi32, #tpu.memory_space<hbm>>) dst(%arg5 : memref<16xi32, #tpu.memory_space<vmem>>)
        tpu.yield
      }) : () -> ()
      %dma_start3A = arith.constant 0 : i32
      %dma_start3A_180 = arith.constant 0 : i32
      %dma_start3A_181 = tpu.memref_slice %arg3[%dma_start3A, %dma_start3A_180] : memref<100x128xf32, #tpu.memory_space<hbm>> -> memref<100x128xf32, #tpu.memory_space<hbm>>
      tpu.enqueue_indirect_dma source(%dma_start3A_181 : memref<100x128xf32, #tpu.memory_space<hbm>>) target(%arg6 : memref<16x128xf32, #tpu.memory_space<vmem>>) offsets(%arg5 : memref<16xi32, #tpu.memory_space<vmem>>) semaphore(%arg7 : memref<!tpu.dma_semaphore, #tpu.memory_space<semaphore_mem>>)
      %dma_wait3A = arith.constant 0 : i32
      %dma_wait3A_182 = arith.constant 0 : i32
      %dma_wait3A_183 = tpu.memref_slice %arg3[%dma_wait3A, %dma_wait3A_182] : memref<100x128xf32, #tpu.memory_space<hbm>> -> memref<100x128xf32, #tpu.memory_space<hbm>>
      tpu.wait_indirect_dma semaphore(%arg7 : memref<!tpu.dma_semaphore, #tpu.memory_space<semaphore_mem>>) src(%dma_wait3A_183 : memref<100x128xf32, #tpu.memory_space<hbm>>) dst(%arg6 : memref<16x128xf32, #tpu.memory_space<vmem>>)
      "tpu.region"() ({
        %run_scoped3A = tpu.sem_alloc : memref<!tpu.dma_semaphore, #tpu.memory_space<semaphore_mem>>
        %dma_start3A_184 = arith.constant 0 : i32
        %dma_start3A_185 = tpu.memref_slice %arg4[%add3A_82, %dma_start3A_184] : memref<10000x128xf32, #tpu.memory_space<hbm>> -> memref<16x128xf32, #tpu.memory_space<hbm>>
        %dma_start3A_186 = arith.constant 0 : i32
        %dma_start3A_187 = tpu.memref_slice %arg4[%add3A_82, %dma_start3A_186] : memref<10000x128xf32, #tpu.memory_space<hbm>> -> memref<16x128xf32, #tpu.memory_space<hbm>>
        tpu.enqueue_dma source(%arg6 : memref<16x128xf32, #tpu.memory_space<vmem>>) target(%dma_start3A_187 : memref<16x128xf32, #tpu.memory_space<hbm>>) target_semaphore(%run_scoped3A : memref<!tpu.dma_semaphore, #tpu.memory_space<semaphore_mem>>)
        %dma_wait3A_188 = arith.constant 0 : i32
        %dma_wait3A_189 = tpu.memref_slice %arg4[%add3A_82, %dma_wait3A_188] : memref<10000x128xf32, #tpu.memory_space<hbm>> -> memref<16x128xf32, #tpu.memory_space<hbm>>
        %dma_wait3A_190 = arith.constant 0 : i32
        %dma_wait3A_191 = tpu.memref_slice %arg4[%add3A_82, %dma_wait3A_190] : memref<10000x128xf32, #tpu.memory_space<hbm>> -> memref<16x128xf32, #tpu.memory_space<hbm>>
        tpu.wait_dma2 semaphore(%run_scoped3A : memref<!tpu.dma_semaphore, #tpu.memory_space<semaphore_mem>>) src(%arg6 : memref<16x128xf32, #tpu.memory_space<vmem>>) dst(%dma_wait3A_191 : memref<16x128xf32, #tpu.memory_space<hbm>>)
        tpu.yield
      }) : () -> ()
    } else {
    }
    %add3A_90 = arith.constant 160 : i32
    %add3A_91 = arith.addi %mul3A_2, %add3A_90 : i32
    %add3A_92 = arith.constant 16 : i32
    %add3A_93 = arith.addi %add3A_91, %add3A_92 : i32
    %le3A_94 = arith.constant 10000 : i32
    %le3A_95 = arith.cmpi sle, %add3A_93, %le3A_94 : i32
    %convert_element_type3A_96 = arith.extui %le3A_95 : i1 to i32
    %cond3A_97 = arith.constant 0 : i32
    %cond3A_98 = arith.cmpi ne, %convert_element_type3A_96, %cond3A_97 : i32
    scf.if %cond3A_98 {
      "tpu.region"() ({
        %run_scoped3A = tpu.sem_alloc : memref<!tpu.dma_semaphore, #tpu.memory_space<semaphore_mem>>
        %dma_start3A_184 = tpu.memref_slice %arg2[%add3A_91] : memref<10000xi32, #tpu.memory_space<hbm>> -> memref<16xi32, #tpu.memory_space<hbm>>
        %dma_start3A_185 = tpu.memref_slice %arg2[%add3A_91] : memref<10000xi32, #tpu.memory_space<hbm>> -> memref<16xi32, #tpu.memory_space<hbm>>
        tpu.enqueue_dma source(%dma_start3A_185 : memref<16xi32, #tpu.memory_space<hbm>>) target(%arg5 : memref<16xi32, #tpu.memory_space<vmem>>) target_semaphore(%run_scoped3A : memref<!tpu.dma_semaphore, #tpu.memory_space<semaphore_mem>>)
        %dma_wait3A_186 = tpu.memref_slice %arg2[%add3A_91] : memref<10000xi32, #tpu.memory_space<hbm>> -> memref<16xi32, #tpu.memory_space<hbm>>
        %dma_wait3A_187 = tpu.memref_slice %arg2[%add3A_91] : memref<10000xi32, #tpu.memory_space<hbm>> -> memref<16xi32, #tpu.memory_space<hbm>>
        tpu.wait_dma2 semaphore(%run_scoped3A : memref<!tpu.dma_semaphore, #tpu.memory_space<semaphore_mem>>) src(%dma_wait3A_187 : memref<16xi32, #tpu.memory_space<hbm>>) dst(%arg5 : memref<16xi32, #tpu.memory_space<vmem>>)
        tpu.yield
      }) : () -> ()
      %dma_start3A = arith.constant 0 : i32
      %dma_start3A_180 = arith.constant 0 : i32
      %dma_start3A_181 = tpu.memref_slice %arg3[%dma_start3A, %dma_start3A_180] : memref<100x128xf32, #tpu.memory_space<hbm>> -> memref<100x128xf32, #tpu.memory_space<hbm>>
      tpu.enqueue_indirect_dma source(%dma_start3A_181 : memref<100x128xf32, #tpu.memory_space<hbm>>) target(%arg6 : memref<16x128xf32, #tpu.memory_space<vmem>>) offsets(%arg5 : memref<16xi32, #tpu.memory_space<vmem>>) semaphore(%arg7 : memref<!tpu.dma_semaphore, #tpu.memory_space<semaphore_mem>>)
      %dma_wait3A = arith.constant 0 : i32
      %dma_wait3A_182 = arith.constant 0 : i32
      %dma_wait3A_183 = tpu.memref_slice %arg3[%dma_wait3A, %dma_wait3A_182] : memref<100x128xf32, #tpu.memory_space<hbm>> -> memref<100x128xf32, #tpu.memory_space<hbm>>
      tpu.wait_indirect_dma semaphore(%arg7 : memref<!tpu.dma_semaphore, #tpu.memory_space<semaphore_mem>>) src(%dma_wait3A_183 : memref<100x128xf32, #tpu.memory_space<hbm>>) dst(%arg6 : memref<16x128xf32, #tpu.memory_space<vmem>>)
      "tpu.region"() ({
        %run_scoped3A = tpu.sem_alloc : memref<!tpu.dma_semaphore, #tpu.memory_space<semaphore_mem>>
        %dma_start3A_184 = arith.constant 0 : i32
        %dma_start3A_185 = tpu.memref_slice %arg4[%add3A_91, %dma_start3A_184] : memref<10000x128xf32, #tpu.memory_space<hbm>> -> memref<16x128xf32, #tpu.memory_space<hbm>>
        %dma_start3A_186 = arith.constant 0 : i32
        %dma_start3A_187 = tpu.memref_slice %arg4[%add3A_91, %dma_start3A_186] : memref<10000x128xf32, #tpu.memory_space<hbm>> -> memref<16x128xf32, #tpu.memory_space<hbm>>
        tpu.enqueue_dma source(%arg6 : memref<16x128xf32, #tpu.memory_space<vmem>>) target(%dma_start3A_187 : memref<16x128xf32, #tpu.memory_space<hbm>>) target_semaphore(%run_scoped3A : memref<!tpu.dma_semaphore, #tpu.memory_space<semaphore_mem>>)
        %dma_wait3A_188 = arith.constant 0 : i32
        %dma_wait3A_189 = tpu.memref_slice %arg4[%add3A_91, %dma_wait3A_188] : memref<10000x128xf32, #tpu.memory_space<hbm>> -> memref<16x128xf32, #tpu.memory_space<hbm>>
        %dma_wait3A_190 = arith.constant 0 : i32
        %dma_wait3A_191 = tpu.memref_slice %arg4[%add3A_91, %dma_wait3A_190] : memref<10000x128xf32, #tpu.memory_space<hbm>> -> memref<16x128xf32, #tpu.memory_space<hbm>>
        tpu.wait_dma2 semaphore(%run_scoped3A : memref<!tpu.dma_semaphore, #tpu.memory_space<semaphore_mem>>) src(%arg6 : memref<16x128xf32, #tpu.memory_space<vmem>>) dst(%dma_wait3A_191 : memref<16x128xf32, #tpu.memory_space<hbm>>)
        tpu.yield
      }) : () -> ()
    } else {
    }
    %add3A_99 = arith.constant 176 : i32
    %add3A_100 = arith.addi %mul3A_2, %add3A_99 : i32
    %add3A_101 = arith.constant 16 : i32
    %add3A_102 = arith.addi %add3A_100, %add3A_101 : i32
    %le3A_103 = arith.constant 10000 : i32
    %le3A_104 = arith.cmpi sle, %add3A_102, %le3A_103 : i32
    %convert_element_type3A_105 = arith.extui %le3A_104 : i1 to i32
    %cond3A_106 = arith.constant 0 : i32
    %cond3A_107 = arith.cmpi ne, %convert_element_type3A_105, %cond3A_106 : i32
    scf.if %cond3A_107 {
      "tpu.region"() ({
        %run_scoped3A = tpu.sem_alloc : memref<!tpu.dma_semaphore, #tpu.memory_space<semaphore_mem>>
        %dma_start3A_184 = tpu.memref_slice %arg2[%add3A_100] : memref<10000xi32, #tpu.memory_space<hbm>> -> memref<16xi32, #tpu.memory_space<hbm>>
        %dma_start3A_185 = tpu.memref_slice %arg2[%add3A_100] : memref<10000xi32, #tpu.memory_space<hbm>> -> memref<16xi32, #tpu.memory_space<hbm>>
        tpu.enqueue_dma source(%dma_start3A_185 : memref<16xi32, #tpu.memory_space<hbm>>) target(%arg5 : memref<16xi32, #tpu.memory_space<vmem>>) target_semaphore(%run_scoped3A : memref<!tpu.dma_semaphore, #tpu.memory_space<semaphore_mem>>)
        %dma_wait3A_186 = tpu.memref_slice %arg2[%add3A_100] : memref<10000xi32, #tpu.memory_space<hbm>> -> memref<16xi32, #tpu.memory_space<hbm>>
        %dma_wait3A_187 = tpu.memref_slice %arg2[%add3A_100] : memref<10000xi32, #tpu.memory_space<hbm>> -> memref<16xi32, #tpu.memory_space<hbm>>
        tpu.wait_dma2 semaphore(%run_scoped3A : memref<!tpu.dma_semaphore, #tpu.memory_space<semaphore_mem>>) src(%dma_wait3A_187 : memref<16xi32, #tpu.memory_space<hbm>>) dst(%arg5 : memref<16xi32, #tpu.memory_space<vmem>>)
        tpu.yield
      }) : () -> ()
      %dma_start3A = arith.constant 0 : i32
      %dma_start3A_180 = arith.constant 0 : i32
      %dma_start3A_181 = tpu.memref_slice %arg3[%dma_start3A, %dma_start3A_180] : memref<100x128xf32, #tpu.memory_space<hbm>> -> memref<100x128xf32, #tpu.memory_space<hbm>>
      tpu.enqueue_indirect_dma source(%dma_start3A_181 : memref<100x128xf32, #tpu.memory_space<hbm>>) target(%arg6 : memref<16x128xf32, #tpu.memory_space<vmem>>) offsets(%arg5 : memref<16xi32, #tpu.memory_space<vmem>>) semaphore(%arg7 : memref<!tpu.dma_semaphore, #tpu.memory_space<semaphore_mem>>)
      %dma_wait3A = arith.constant 0 : i32
      %dma_wait3A_182 = arith.constant 0 : i32
      %dma_wait3A_183 = tpu.memref_slice %arg3[%dma_wait3A, %dma_wait3A_182] : memref<100x128xf32, #tpu.memory_space<hbm>> -> memref<100x128xf32, #tpu.memory_space<hbm>>
      tpu.wait_indirect_dma semaphore(%arg7 : memref<!tpu.dma_semaphore, #tpu.memory_space<semaphore_mem>>) src(%dma_wait3A_183 : memref<100x128xf32, #tpu.memory_space<hbm>>) dst(%arg6 : memref<16x128xf32, #tpu.memory_space<vmem>>)
      "tpu.region"() ({
        %run_scoped3A = tpu.sem_alloc : memref<!tpu.dma_semaphore, #tpu.memory_space<semaphore_mem>>
        %dma_start3A_184 = arith.constant 0 : i32
        %dma_start3A_185 = tpu.memref_slice %arg4[%add3A_100, %dma_start3A_184] : memref<10000x128xf32, #tpu.memory_space<hbm>> -> memref<16x128xf32, #tpu.memory_space<hbm>>
        %dma_start3A_186 = arith.constant 0 : i32
        %dma_start3A_187 = tpu.memref_slice %arg4[%add3A_100, %dma_start3A_186] : memref<10000x128xf32, #tpu.memory_space<hbm>> -> memref<16x128xf32, #tpu.memory_space<hbm>>
        tpu.enqueue_dma source(%arg6 : memref<16x128xf32, #tpu.memory_space<vmem>>) target(%dma_start3A_187 : memref<16x128xf32, #tpu.memory_space<hbm>>) target_semaphore(%run_scoped3A : memref<!tpu.dma_semaphore, #tpu.memory_space<semaphore_mem>>)
        %dma_wait3A_188 = arith.constant 0 : i32
        %dma_wait3A_189 = tpu.memref_slice %arg4[%add3A_100, %dma_wait3A_188] : memref<10000x128xf32, #tpu.memory_space<hbm>> -> memref<16x128xf32, #tpu.memory_space<hbm>>
        %dma_wait3A_190 = arith.constant 0 : i32
        %dma_wait3A_191 = tpu.memref_slice %arg4[%add3A_100, %dma_wait3A_190] : memref<10000x128xf32, #tpu.memory_space<hbm>> -> memref<16x128xf32, #tpu.memory_space<hbm>>
        tpu.wait_dma2 semaphore(%run_scoped3A : memref<!tpu.dma_semaphore, #tpu.memory_space<semaphore_mem>>) src(%arg6 : memref<16x128xf32, #tpu.memory_space<vmem>>) dst(%dma_wait3A_191 : memref<16x128xf32, #tpu.memory_space<hbm>>)
        tpu.yield
      }) : () -> ()
    } else {
    }
    %add3A_108 = arith.constant 192 : i32
    %add3A_109 = arith.addi %mul3A_2, %add3A_108 : i32
    %add3A_110 = arith.constant 16 : i32
    %add3A_111 = arith.addi %add3A_109, %add3A_110 : i32
    %le3A_112 = arith.constant 10000 : i32
    %le3A_113 = arith.cmpi sle, %add3A_111, %le3A_112 : i32
    %convert_element_type3A_114 = arith.extui %le3A_113 : i1 to i32
    %cond3A_115 = arith.constant 0 : i32
    %cond3A_116 = arith.cmpi ne, %convert_element_type3A_114, %cond3A_115 : i32
    scf.if %cond3A_116 {
      "tpu.region"() ({
        %run_scoped3A = tpu.sem_alloc : memref<!tpu.dma_semaphore, #tpu.memory_space<semaphore_mem>>
        %dma_start3A_184 = tpu.memref_slice %arg2[%add3A_109] : memref<10000xi32, #tpu.memory_space<hbm>> -> memref<16xi32, #tpu.memory_space<hbm>>
        %dma_start3A_185 = tpu.memref_slice %arg2[%add3A_109] : memref<10000xi32, #tpu.memory_space<hbm>> -> memref<16xi32, #tpu.memory_space<hbm>>
        tpu.enqueue_dma source(%dma_start3A_185 : memref<16xi32, #tpu.memory_space<hbm>>) target(%arg5 : memref<16xi32, #tpu.memory_space<vmem>>) target_semaphore(%run_scoped3A : memref<!tpu.dma_semaphore, #tpu.memory_space<semaphore_mem>>)
        %dma_wait3A_186 = tpu.memref_slice %arg2[%add3A_109] : memref<10000xi32, #tpu.memory_space<hbm>> -> memref<16xi32, #tpu.memory_space<hbm>>
        %dma_wait3A_187 = tpu.memref_slice %arg2[%add3A_109] : memref<10000xi32, #tpu.memory_space<hbm>> -> memref<16xi32, #tpu.memory_space<hbm>>
        tpu.wait_dma2 semaphore(%run_scoped3A : memref<!tpu.dma_semaphore, #tpu.memory_space<semaphore_mem>>) src(%dma_wait3A_187 : memref<16xi32, #tpu.memory_space<hbm>>) dst(%arg5 : memref<16xi32, #tpu.memory_space<vmem>>)
        tpu.yield
      }) : () -> ()
      %dma_start3A = arith.constant 0 : i32
      %dma_start3A_180 = arith.constant 0 : i32
      %dma_start3A_181 = tpu.memref_slice %arg3[%dma_start3A, %dma_start3A_180] : memref<100x128xf32, #tpu.memory_space<hbm>> -> memref<100x128xf32, #tpu.memory_space<hbm>>
      tpu.enqueue_indirect_dma source(%dma_start3A_181 : memref<100x128xf32, #tpu.memory_space<hbm>>) target(%arg6 : memref<16x128xf32, #tpu.memory_space<vmem>>) offsets(%arg5 : memref<16xi32, #tpu.memory_space<vmem>>) semaphore(%arg7 : memref<!tpu.dma_semaphore, #tpu.memory_space<semaphore_mem>>)
      %dma_wait3A = arith.constant 0 : i32
      %dma_wait3A_182 = arith.constant 0 : i32
      %dma_wait3A_183 = tpu.memref_slice %arg3[%dma_wait3A, %dma_wait3A_182] : memref<100x128xf32, #tpu.memory_space<hbm>> -> memref<100x128xf32, #tpu.memory_space<hbm>>
      tpu.wait_indirect_dma semaphore(%arg7 : memref<!tpu.dma_semaphore, #tpu.memory_space<semaphore_mem>>) src(%dma_wait3A_183 : memref<100x128xf32, #tpu.memory_space<hbm>>) dst(%arg6 : memref<16x128xf32, #tpu.memory_space<vmem>>)
      "tpu.region"() ({
        %run_scoped3A = tpu.sem_alloc : memref<!tpu.dma_semaphore, #tpu.memory_space<semaphore_mem>>
        %dma_start3A_184 = arith.constant 0 : i32
        %dma_start3A_185 = tpu.memref_slice %arg4[%add3A_109, %dma_start3A_184] : memref<10000x128xf32, #tpu.memory_space<hbm>> -> memref<16x128xf32, #tpu.memory_space<hbm>>
        %dma_start3A_186 = arith.constant 0 : i32
        %dma_start3A_187 = tpu.memref_slice %arg4[%add3A_109, %dma_start3A_186] : memref<10000x128xf32, #tpu.memory_space<hbm>> -> memref<16x128xf32, #tpu.memory_space<hbm>>
        tpu.enqueue_dma source(%arg6 : memref<16x128xf32, #tpu.memory_space<vmem>>) target(%dma_start3A_187 : memref<16x128xf32, #tpu.memory_space<hbm>>) target_semaphore(%run_scoped3A : memref<!tpu.dma_semaphore, #tpu.memory_space<semaphore_mem>>)
        %dma_wait3A_188 = arith.constant 0 : i32
        %dma_wait3A_189 = tpu.memref_slice %arg4[%add3A_109, %dma_wait3A_188] : memref<10000x128xf32, #tpu.memory_space<hbm>> -> memref<16x128xf32, #tpu.memory_space<hbm>>
        %dma_wait3A_190 = arith.constant 0 : i32
        %dma_wait3A_191 = tpu.memref_slice %arg4[%add3A_109, %dma_wait3A_190] : memref<10000x128xf32, #tpu.memory_space<hbm>> -> memref<16x128xf32, #tpu.memory_space<hbm>>
        tpu.wait_dma2 semaphore(%run_scoped3A : memref<!tpu.dma_semaphore, #tpu.memory_space<semaphore_mem>>) src(%arg6 : memref<16x128xf32, #tpu.memory_space<vmem>>) dst(%dma_wait3A_191 : memref<16x128xf32, #tpu.memory_space<hbm>>)
        tpu.yield
      }) : () -> ()
    } else {
    }
    %add3A_117 = arith.constant 208 : i32
    %add3A_118 = arith.addi %mul3A_2, %add3A_117 : i32
    %add3A_119 = arith.constant 16 : i32
    %add3A_120 = arith.addi %add3A_118, %add3A_119 : i32
    %le3A_121 = arith.constant 10000 : i32
    %le3A_122 = arith.cmpi sle, %add3A_120, %le3A_121 : i32
    %convert_element_type3A_123 = arith.extui %le3A_122 : i1 to i32
    %cond3A_124 = arith.constant 0 : i32
    %cond3A_125 = arith.cmpi ne, %convert_element_type3A_123, %cond3A_124 : i32
    scf.if %cond3A_125 {
      "tpu.region"() ({
        %run_scoped3A = tpu.sem_alloc : memref<!tpu.dma_semaphore, #tpu.memory_space<semaphore_mem>>
        %dma_start3A_184 = tpu.memref_slice %arg2[%add3A_118] : memref<10000xi32, #tpu.memory_space<hbm>> -> memref<16xi32, #tpu.memory_space<hbm>>
        %dma_start3A_185 = tpu.memref_slice %arg2[%add3A_118] : memref<10000xi32, #tpu.memory_space<hbm>> -> memref<16xi32, #tpu.memory_space<hbm>>
        tpu.enqueue_dma source(%dma_start3A_185 : memref<16xi32, #tpu.memory_space<hbm>>) target(%arg5 : memref<16xi32, #tpu.memory_space<vmem>>) target_semaphore(%run_scoped3A : memref<!tpu.dma_semaphore, #tpu.memory_space<semaphore_mem>>)
        %dma_wait3A_186 = tpu.memref_slice %arg2[%add3A_118] : memref<10000xi32, #tpu.memory_space<hbm>> -> memref<16xi32, #tpu.memory_space<hbm>>
        %dma_wait3A_187 = tpu.memref_slice %arg2[%add3A_118] : memref<10000xi32, #tpu.memory_space<hbm>> -> memref<16xi32, #tpu.memory_space<hbm>>
        tpu.wait_dma2 semaphore(%run_scoped3A : memref<!tpu.dma_semaphore, #tpu.memory_space<semaphore_mem>>) src(%dma_wait3A_187 : memref<16xi32, #tpu.memory_space<hbm>>) dst(%arg5 : memref<16xi32, #tpu.memory_space<vmem>>)
        tpu.yield
      }) : () -> ()
      %dma_start3A = arith.constant 0 : i32
      %dma_start3A_180 = arith.constant 0 : i32
      %dma_start3A_181 = tpu.memref_slice %arg3[%dma_start3A, %dma_start3A_180] : memref<100x128xf32, #tpu.memory_space<hbm>> -> memref<100x128xf32, #tpu.memory_space<hbm>>
      tpu.enqueue_indirect_dma source(%dma_start3A_181 : memref<100x128xf32, #tpu.memory_space<hbm>>) target(%arg6 : memref<16x128xf32, #tpu.memory_space<vmem>>) offsets(%arg5 : memref<16xi32, #tpu.memory_space<vmem>>) semaphore(%arg7 : memref<!tpu.dma_semaphore, #tpu.memory_space<semaphore_mem>>)
      %dma_wait3A = arith.constant 0 : i32
      %dma_wait3A_182 = arith.constant 0 : i32
      %dma_wait3A_183 = tpu.memref_slice %arg3[%dma_wait3A, %dma_wait3A_182] : memref<100x128xf32, #tpu.memory_space<hbm>> -> memref<100x128xf32, #tpu.memory_space<hbm>>
      tpu.wait_indirect_dma semaphore(%arg7 : memref<!tpu.dma_semaphore, #tpu.memory_space<semaphore_mem>>) src(%dma_wait3A_183 : memref<100x128xf32, #tpu.memory_space<hbm>>) dst(%arg6 : memref<16x128xf32, #tpu.memory_space<vmem>>)
      "tpu.region"() ({
        %run_scoped3A = tpu.sem_alloc : memref<!tpu.dma_semaphore, #tpu.memory_space<semaphore_mem>>
        %dma_start3A_184 = arith.constant 0 : i32
        %dma_start3A_185 = tpu.memref_slice %arg4[%add3A_118, %dma_start3A_184] : memref<10000x128xf32, #tpu.memory_space<hbm>> -> memref<16x128xf32, #tpu.memory_space<hbm>>
        %dma_start3A_186 = arith.constant 0 : i32
        %dma_start3A_187 = tpu.memref_slice %arg4[%add3A_118, %dma_start3A_186] : memref<10000x128xf32, #tpu.memory_space<hbm>> -> memref<16x128xf32, #tpu.memory_space<hbm>>
        tpu.enqueue_dma source(%arg6 : memref<16x128xf32, #tpu.memory_space<vmem>>) target(%dma_start3A_187 : memref<16x128xf32, #tpu.memory_space<hbm>>) target_semaphore(%run_scoped3A : memref<!tpu.dma_semaphore, #tpu.memory_space<semaphore_mem>>)
        %dma_wait3A_188 = arith.constant 0 : i32
        %dma_wait3A_189 = tpu.memref_slice %arg4[%add3A_118, %dma_wait3A_188] : memref<10000x128xf32, #tpu.memory_space<hbm>> -> memref<16x128xf32, #tpu.memory_space<hbm>>
        %dma_wait3A_190 = arith.constant 0 : i32
        %dma_wait3A_191 = tpu.memref_slice %arg4[%add3A_118, %dma_wait3A_190] : memref<10000x128xf32, #tpu.memory_space<hbm>> -> memref<16x128xf32, #tpu.memory_space<hbm>>
        tpu.wait_dma2 semaphore(%run_scoped3A : memref<!tpu.dma_semaphore, #tpu.memory_space<semaphore_mem>>) src(%arg6 : memref<16x128xf32, #tpu.memory_space<vmem>>) dst(%dma_wait3A_191 : memref<16x128xf32, #tpu.memory_space<hbm>>)
        tpu.yield
      }) : () -> ()
    } else {
    }
    %add3A_126 = arith.constant 224 : i32
    %add3A_127 = arith.addi %mul3A_2, %add3A_126 : i32
    %add3A_128 = arith.constant 16 : i32
    %add3A_129 = arith.addi %add3A_127, %add3A_128 : i32
    %le3A_130 = arith.constant 10000 : i32
    %le3A_131 = arith.cmpi sle, %add3A_129, %le3A_130 : i32
    %convert_element_type3A_132 = arith.extui %le3A_131 : i1 to i32
    %cond3A_133 = arith.constant 0 : i32
    %cond3A_134 = arith.cmpi ne, %convert_element_type3A_132, %cond3A_133 : i32
    scf.if %cond3A_134 {
      "tpu.region"() ({
        %run_scoped3A = tpu.sem_alloc : memref<!tpu.dma_semaphore, #tpu.memory_space<semaphore_mem>>
        %dma_start3A_184 = tpu.memref_slice %arg2[%add3A_127] : memref<10000xi32, #tpu.memory_space<hbm>> -> memref<16xi32, #tpu.memory_space<hbm>>
        %dma_start3A_185 = tpu.memref_slice %arg2[%add3A_127] : memref<10000xi32, #tpu.memory_space<hbm>> -> memref<16xi32, #tpu.memory_space<hbm>>
        tpu.enqueue_dma source(%dma_start3A_185 : memref<16xi32, #tpu.memory_space<hbm>>) target(%arg5 : memref<16xi32, #tpu.memory_space<vmem>>) target_semaphore(%run_scoped3A : memref<!tpu.dma_semaphore, #tpu.memory_space<semaphore_mem>>)
        %dma_wait3A_186 = tpu.memref_slice %arg2[%add3A_127] : memref<10000xi32, #tpu.memory_space<hbm>> -> memref<16xi32, #tpu.memory_space<hbm>>
        %dma_wait3A_187 = tpu.memref_slice %arg2[%add3A_127] : memref<10000xi32, #tpu.memory_space<hbm>> -> memref<16xi32, #tpu.memory_space<hbm>>
        tpu.wait_dma2 semaphore(%run_scoped3A : memref<!tpu.dma_semaphore, #tpu.memory_space<semaphore_mem>>) src(%dma_wait3A_187 : memref<16xi32, #tpu.memory_space<hbm>>) dst(%arg5 : memref<16xi32, #tpu.memory_space<vmem>>)
        tpu.yield
      }) : () -> ()
      %dma_start3A = arith.constant 0 : i32
      %dma_start3A_180 = arith.constant 0 : i32
      %dma_start3A_181 = tpu.memref_slice %arg3[%dma_start3A, %dma_start3A_180] : memref<100x128xf32, #tpu.memory_space<hbm>> -> memref<100x128xf32, #tpu.memory_space<hbm>>
      tpu.enqueue_indirect_dma source(%dma_start3A_181 : memref<100x128xf32, #tpu.memory_space<hbm>>) target(%arg6 : memref<16x128xf32, #tpu.memory_space<vmem>>) offsets(%arg5 : memref<16xi32, #tpu.memory_space<vmem>>) semaphore(%arg7 : memref<!tpu.dma_semaphore, #tpu.memory_space<semaphore_mem>>)
      %dma_wait3A = arith.constant 0 : i32
      %dma_wait3A_182 = arith.constant 0 : i32
      %dma_wait3A_183 = tpu.memref_slice %arg3[%dma_wait3A, %dma_wait3A_182] : memref<100x128xf32, #tpu.memory_space<hbm>> -> memref<100x128xf32, #tpu.memory_space<hbm>>
      tpu.wait_indirect_dma semaphore(%arg7 : memref<!tpu.dma_semaphore, #tpu.memory_space<semaphore_mem>>) src(%dma_wait3A_183 : memref<100x128xf32, #tpu.memory_space<hbm>>) dst(%arg6 : memref<16x128xf32, #tpu.memory_space<vmem>>)
      "tpu.region"() ({
        %run_scoped3A = tpu.sem_alloc : memref<!tpu.dma_semaphore, #tpu.memory_space<semaphore_mem>>
        %dma_start3A_184 = arith.constant 0 : i32
        %dma_start3A_185 = tpu.memref_slice %arg4[%add3A_127, %dma_start3A_184] : memref<10000x128xf32, #tpu.memory_space<hbm>> -> memref<16x128xf32, #tpu.memory_space<hbm>>
        %dma_start3A_186 = arith.constant 0 : i32
        %dma_start3A_187 = tpu.memref_slice %arg4[%add3A_127, %dma_start3A_186] : memref<10000x128xf32, #tpu.memory_space<hbm>> -> memref<16x128xf32, #tpu.memory_space<hbm>>
        tpu.enqueue_dma source(%arg6 : memref<16x128xf32, #tpu.memory_space<vmem>>) target(%dma_start3A_187 : memref<16x128xf32, #tpu.memory_space<hbm>>) target_semaphore(%run_scoped3A : memref<!tpu.dma_semaphore, #tpu.memory_space<semaphore_mem>>)
        %dma_wait3A_188 = arith.constant 0 : i32
        %dma_wait3A_189 = tpu.memref_slice %arg4[%add3A_127, %dma_wait3A_188] : memref<10000x128xf32, #tpu.memory_space<hbm>> -> memref<16x128xf32, #tpu.memory_space<hbm>>
        %dma_wait3A_190 = arith.constant 0 : i32
        %dma_wait3A_191 = tpu.memref_slice %arg4[%add3A_127, %dma_wait3A_190] : memref<10000x128xf32, #tpu.memory_space<hbm>> -> memref<16x128xf32, #tpu.memory_space<hbm>>
        tpu.wait_dma2 semaphore(%run_scoped3A : memref<!tpu.dma_semaphore, #tpu.memory_space<semaphore_mem>>) src(%arg6 : memref<16x128xf32, #tpu.memory_space<vmem>>) dst(%dma_wait3A_191 : memref<16x128xf32, #tpu.memory_space<hbm>>)
        tpu.yield
      }) : () -> ()
    } else {
    }
    %add3A_135 = arith.constant 240 : i32
    %add3A_136 = arith.addi %mul3A_2, %add3A_135 : i32
    %add3A_137 = arith.constant 16 : i32
    %add3A_138 = arith.addi %add3A_136, %add3A_137 : i32
    %le3A_139 = arith.constant 10000 : i32
    %le3A_140 = arith.cmpi sle, %add3A_138, %le3A_139 : i32
    %convert_element_type3A_141 = arith.extui %le3A_140 : i1 to i32
    %cond3A_142 = arith.constant 0 : i32
    %cond3A_143 = arith.cmpi ne, %convert_element_type3A_141, %cond3A_142 : i32
    scf.if %cond3A_143 {
      "tpu.region"() ({
        %run_scoped3A = tpu.sem_alloc : memref<!tpu.dma_semaphore, #tpu.memory_space<semaphore_mem>>
        %dma_start3A_184 = tpu.memref_slice %arg2[%add3A_136] : memref<10000xi32, #tpu.memory_space<hbm>> -> memref<16xi32, #tpu.memory_space<hbm>>
        %dma_start3A_185 = tpu.memref_slice %arg2[%add3A_136] : memref<10000xi32, #tpu.memory_space<hbm>> -> memref<16xi32, #tpu.memory_space<hbm>>
        tpu.enqueue_dma source(%dma_start3A_185 : memref<16xi32, #tpu.memory_space<hbm>>) target(%arg5 : memref<16xi32, #tpu.memory_space<vmem>>) target_semaphore(%run_scoped3A : memref<!tpu.dma_semaphore, #tpu.memory_space<semaphore_mem>>)
        %dma_wait3A_186 = tpu.memref_slice %arg2[%add3A_136] : memref<10000xi32, #tpu.memory_space<hbm>> -> memref<16xi32, #tpu.memory_space<hbm>>
        %dma_wait3A_187 = tpu.memref_slice %arg2[%add3A_136] : memref<10000xi32, #tpu.memory_space<hbm>> -> memref<16xi32, #tpu.memory_space<hbm>>
        tpu.wait_dma2 semaphore(%run_scoped3A : memref<!tpu.dma_semaphore, #tpu.memory_space<semaphore_mem>>) src(%dma_wait3A_187 : memref<16xi32, #tpu.memory_space<hbm>>) dst(%arg5 : memref<16xi32, #tpu.memory_space<vmem>>)
        tpu.yield
      }) : () -> ()
      %dma_start3A = arith.constant 0 : i32
      %dma_start3A_180 = arith.constant 0 : i32
      %dma_start3A_181 = tpu.memref_slice %arg3[%dma_start3A, %dma_start3A_180] : memref<100x128xf32, #tpu.memory_space<hbm>> -> memref<100x128xf32, #tpu.memory_space<hbm>>
      tpu.enqueue_indirect_dma source(%dma_start3A_181 : memref<100x128xf32, #tpu.memory_space<hbm>>) target(%arg6 : memref<16x128xf32, #tpu.memory_space<vmem>>) offsets(%arg5 : memref<16xi32, #tpu.memory_space<vmem>>) semaphore(%arg7 : memref<!tpu.dma_semaphore, #tpu.memory_space<semaphore_mem>>)
      %dma_wait3A = arith.constant 0 : i32
      %dma_wait3A_182 = arith.constant 0 : i32
      %dma_wait3A_183 = tpu.memref_slice %arg3[%dma_wait3A, %dma_wait3A_182] : memref<100x128xf32, #tpu.memory_space<hbm>> -> memref<100x128xf32, #tpu.memory_space<hbm>>
      tpu.wait_indirect_dma semaphore(%arg7 : memref<!tpu.dma_semaphore, #tpu.memory_space<semaphore_mem>>) src(%dma_wait3A_183 : memref<100x128xf32, #tpu.memory_space<hbm>>) dst(%arg6 : memref<16x128xf32, #tpu.memory_space<vmem>>)
      "tpu.region"() ({
        %run_scoped3A = tpu.sem_alloc : memref<!tpu.dma_semaphore, #tpu.memory_space<semaphore_mem>>
        %dma_start3A_184 = arith.constant 0 : i32
        %dma_start3A_185 = tpu.memref_slice %arg4[%add3A_136, %dma_start3A_184] : memref<10000x128xf32, #tpu.memory_space<hbm>> -> memref<16x128xf32, #tpu.memory_space<hbm>>
        %dma_start3A_186 = arith.constant 0 : i32
        %dma_start3A_187 = tpu.memref_slice %arg4[%add3A_136, %dma_start3A_186] : memref<10000x128xf32, #tpu.memory_space<hbm>> -> memref<16x128xf32, #tpu.memory_space<hbm>>
        tpu.enqueue_dma source(%arg6 : memref<16x128xf32, #tpu.memory_space<vmem>>) target(%dma_start3A_187 : memref<16x128xf32, #tpu.memory_space<hbm>>) target_semaphore(%run_scoped3A : memref<!tpu.dma_semaphore, #tpu.memory_space<semaphore_mem>>)
        %dma_wait3A_188 = arith.constant 0 : i32
        %dma_wait3A_189 = tpu.memref_slice %arg4[%add3A_136, %dma_wait3A_188] : memref<10000x128xf32, #tpu.memory_space<hbm>> -> memref<16x128xf32, #tpu.memory_space<hbm>>
        %dma_wait3A_190 = arith.constant 0 : i32
        %dma_wait3A_191 = tpu.memref_slice %arg4[%add3A_136, %dma_wait3A_190] : memref<10000x128xf32, #tpu.memory_space<hbm>> -> memref<16x128xf32, #tpu.memory_space<hbm>>
        tpu.wait_dma2 semaphore(%run_scoped3A : memref<!tpu.dma_semaphore, #tpu.memory_space<semaphore_mem>>) src(%arg6 : memref<16x128xf32, #tpu.memory_space<vmem>>) dst(%dma_wait3A_191 : memref<16x128xf32, #tpu.memory_space<hbm>>)
        tpu.yield
      }) : () -> ()
    } else {
    }
    %add3A_144 = arith.constant 256 : i32
    %add3A_145 = arith.addi %mul3A_2, %add3A_144 : i32
    %add3A_146 = arith.constant 16 : i32
    %add3A_147 = arith.addi %add3A_145, %add3A_146 : i32
    %le3A_148 = arith.constant 10000 : i32
    %le3A_149 = arith.cmpi sle, %add3A_147, %le3A_148 : i32
    %convert_element_type3A_150 = arith.extui %le3A_149 : i1 to i32
    %cond3A_151 = arith.constant 0 : i32
    %cond3A_152 = arith.cmpi ne, %convert_element_type3A_150, %cond3A_151 : i32
    scf.if %cond3A_152 {
      "tpu.region"() ({
        %run_scoped3A = tpu.sem_alloc : memref<!tpu.dma_semaphore, #tpu.memory_space<semaphore_mem>>
        %dma_start3A_184 = tpu.memref_slice %arg2[%add3A_145] : memref<10000xi32, #tpu.memory_space<hbm>> -> memref<16xi32, #tpu.memory_space<hbm>>
        %dma_start3A_185 = tpu.memref_slice %arg2[%add3A_145] : memref<10000xi32, #tpu.memory_space<hbm>> -> memref<16xi32, #tpu.memory_space<hbm>>
        tpu.enqueue_dma source(%dma_start3A_185 : memref<16xi32, #tpu.memory_space<hbm>>) target(%arg5 : memref<16xi32, #tpu.memory_space<vmem>>) target_semaphore(%run_scoped3A : memref<!tpu.dma_semaphore, #tpu.memory_space<semaphore_mem>>)
        %dma_wait3A_186 = tpu.memref_slice %arg2[%add3A_145] : memref<10000xi32, #tpu.memory_space<hbm>> -> memref<16xi32, #tpu.memory_space<hbm>>
        %dma_wait3A_187 = tpu.memref_slice %arg2[%add3A_145] : memref<10000xi32, #tpu.memory_space<hbm>> -> memref<16xi32, #tpu.memory_space<hbm>>
        tpu.wait_dma2 semaphore(%run_scoped3A : memref<!tpu.dma_semaphore, #tpu.memory_space<semaphore_mem>>) src(%dma_wait3A_187 : memref<16xi32, #tpu.memory_space<hbm>>) dst(%arg5 : memref<16xi32, #tpu.memory_space<vmem>>)
        tpu.yield
      }) : () -> ()
      %dma_start3A = arith.constant 0 : i32
      %dma_start3A_180 = arith.constant 0 : i32
      %dma_start3A_181 = tpu.memref_slice %arg3[%dma_start3A, %dma_start3A_180] : memref<100x128xf32, #tpu.memory_space<hbm>> -> memref<100x128xf32, #tpu.memory_space<hbm>>
      tpu.enqueue_indirect_dma source(%dma_start3A_181 : memref<100x128xf32, #tpu.memory_space<hbm>>) target(%arg6 : memref<16x128xf32, #tpu.memory_space<vmem>>) offsets(%arg5 : memref<16xi32, #tpu.memory_space<vmem>>) semaphore(%arg7 : memref<!tpu.dma_semaphore, #tpu.memory_space<semaphore_mem>>)
      %dma_wait3A = arith.constant 0 : i32
      %dma_wait3A_182 = arith.constant 0 : i32
      %dma_wait3A_183 = tpu.memref_slice %arg3[%dma_wait3A, %dma_wait3A_182] : memref<100x128xf32, #tpu.memory_space<hbm>> -> memref<100x128xf32, #tpu.memory_space<hbm>>
      tpu.wait_indirect_dma semaphore(%arg7 : memref<!tpu.dma_semaphore, #tpu.memory_space<semaphore_mem>>) src(%dma_wait3A_183 : memref<100x128xf32, #tpu.memory_space<hbm>>) dst(%arg6 : memref<16x128xf32, #tpu.memory_space<vmem>>)
      "tpu.region"() ({
        %run_scoped3A = tpu.sem_alloc : memref<!tpu.dma_semaphore, #tpu.memory_space<semaphore_mem>>
        %dma_start3A_184 = arith.constant 0 : i32
        %dma_start3A_185 = tpu.memref_slice %arg4[%add3A_145, %dma_start3A_184] : memref<10000x128xf32, #tpu.memory_space<hbm>> -> memref<16x128xf32, #tpu.memory_space<hbm>>
        %dma_start3A_186 = arith.constant 0 : i32
        %dma_start3A_187 = tpu.memref_slice %arg4[%add3A_145, %dma_start3A_186] : memref<10000x128xf32, #tpu.memory_space<hbm>> -> memref<16x128xf32, #tpu.memory_space<hbm>>
        tpu.enqueue_dma source(%arg6 : memref<16x128xf32, #tpu.memory_space<vmem>>) target(%dma_start3A_187 : memref<16x128xf32, #tpu.memory_space<hbm>>) target_semaphore(%run_scoped3A : memref<!tpu.dma_semaphore, #tpu.memory_space<semaphore_mem>>)
        %dma_wait3A_188 = arith.constant 0 : i32
        %dma_wait3A_189 = tpu.memref_slice %arg4[%add3A_145, %dma_wait3A_188] : memref<10000x128xf32, #tpu.memory_space<hbm>> -> memref<16x128xf32, #tpu.memory_space<hbm>>
        %dma_wait3A_190 = arith.constant 0 : i32
        %dma_wait3A_191 = tpu.memref_slice %arg4[%add3A_145, %dma_wait3A_190] : memref<10000x128xf32, #tpu.memory_space<hbm>> -> memref<16x128xf32, #tpu.memory_space<hbm>>
        tpu.wait_dma2 semaphore(%run_scoped3A : memref<!tpu.dma_semaphore, #tpu.memory_space<semaphore_mem>>) src(%arg6 : memref<16x128xf32, #tpu.memory_space<vmem>>) dst(%dma_wait3A_191 : memref<16x128xf32, #tpu.memory_space<hbm>>)
        tpu.yield
      }) : () -> ()
    } else {
    }
    %add3A_153 = arith.constant 272 : i32
    %add3A_154 = arith.addi %mul3A_2, %add3A_153 : i32
    %add3A_155 = arith.constant 16 : i32
    %add3A_156 = arith.addi %add3A_154, %add3A_155 : i32
    %le3A_157 = arith.constant 10000 : i32
    %le3A_158 = arith.cmpi sle, %add3A_156, %le3A_157 : i32
    %convert_element_type3A_159 = arith.extui %le3A_158 : i1 to i32
    %cond3A_160 = arith.constant 0 : i32
    %cond3A_161 = arith.cmpi ne, %convert_element_type3A_159, %cond3A_160 : i32
    scf.if %cond3A_161 {
      "tpu.region"() ({
        %run_scoped3A = tpu.sem_alloc : memref<!tpu.dma_semaphore, #tpu.memory_space<semaphore_mem>>
        %dma_start3A_184 = tpu.memref_slice %arg2[%add3A_154] : memref<10000xi32, #tpu.memory_space<hbm>> -> memref<16xi32, #tpu.memory_space<hbm>>
        %dma_start3A_185 = tpu.memref_slice %arg2[%add3A_154] : memref<10000xi32, #tpu.memory_space<hbm>> -> memref<16xi32, #tpu.memory_space<hbm>>
        tpu.enqueue_dma source(%dma_start3A_185 : memref<16xi32, #tpu.memory_space<hbm>>) target(%arg5 : memref<16xi32, #tpu.memory_space<vmem>>) target_semaphore(%run_scoped3A : memref<!tpu.dma_semaphore, #tpu.memory_space<semaphore_mem>>)
        %dma_wait3A_186 = tpu.memref_slice %arg2[%add3A_154] : memref<10000xi32, #tpu.memory_space<hbm>> -> memref<16xi32, #tpu.memory_space<hbm>>
        %dma_wait3A_187 = tpu.memref_slice %arg2[%add3A_154] : memref<10000xi32, #tpu.memory_space<hbm>> -> memref<16xi32, #tpu.memory_space<hbm>>
        tpu.wait_dma2 semaphore(%run_scoped3A : memref<!tpu.dma_semaphore, #tpu.memory_space<semaphore_mem>>) src(%dma_wait3A_187 : memref<16xi32, #tpu.memory_space<hbm>>) dst(%arg5 : memref<16xi32, #tpu.memory_space<vmem>>)
        tpu.yield
      }) : () -> ()
      %dma_start3A = arith.constant 0 : i32
      %dma_start3A_180 = arith.constant 0 : i32
      %dma_start3A_181 = tpu.memref_slice %arg3[%dma_start3A, %dma_start3A_180] : memref<100x128xf32, #tpu.memory_space<hbm>> -> memref<100x128xf32, #tpu.memory_space<hbm>>
      tpu.enqueue_indirect_dma source(%dma_start3A_181 : memref<100x128xf32, #tpu.memory_space<hbm>>) target(%arg6 : memref<16x128xf32, #tpu.memory_space<vmem>>) offsets(%arg5 : memref<16xi32, #tpu.memory_space<vmem>>) semaphore(%arg7 : memref<!tpu.dma_semaphore, #tpu.memory_space<semaphore_mem>>)
      %dma_wait3A = arith.constant 0 : i32
      %dma_wait3A_182 = arith.constant 0 : i32
      %dma_wait3A_183 = tpu.memref_slice %arg3[%dma_wait3A, %dma_wait3A_182] : memref<100x128xf32, #tpu.memory_space<hbm>> -> memref<100x128xf32, #tpu.memory_space<hbm>>
      tpu.wait_indirect_dma semaphore(%arg7 : memref<!tpu.dma_semaphore, #tpu.memory_space<semaphore_mem>>) src(%dma_wait3A_183 : memref<100x128xf32, #tpu.memory_space<hbm>>) dst(%arg6 : memref<16x128xf32, #tpu.memory_space<vmem>>)
      "tpu.region"() ({
        %run_scoped3A = tpu.sem_alloc : memref<!tpu.dma_semaphore, #tpu.memory_space<semaphore_mem>>
        %dma_start3A_184 = arith.constant 0 : i32
        %dma_start3A_185 = tpu.memref_slice %arg4[%add3A_154, %dma_start3A_184] : memref<10000x128xf32, #tpu.memory_space<hbm>> -> memref<16x128xf32, #tpu.memory_space<hbm>>
        %dma_start3A_186 = arith.constant 0 : i32
        %dma_start3A_187 = tpu.memref_slice %arg4[%add3A_154, %dma_start3A_186] : memref<10000x128xf32, #tpu.memory_space<hbm>> -> memref<16x128xf32, #tpu.memory_space<hbm>>
        tpu.enqueue_dma source(%arg6 : memref<16x128xf32, #tpu.memory_space<vmem>>) target(%dma_start3A_187 : memref<16x128xf32, #tpu.memory_space<hbm>>) target_semaphore(%run_scoped3A : memref<!tpu.dma_semaphore, #tpu.memory_space<semaphore_mem>>)
        %dma_wait3A_188 = arith.constant 0 : i32
        %dma_wait3A_189 = tpu.memref_slice %arg4[%add3A_154, %dma_wait3A_188] : memref<10000x128xf32, #tpu.memory_space<hbm>> -> memref<16x128xf32, #tpu.memory_space<hbm>>
        %dma_wait3A_190 = arith.constant 0 : i32
        %dma_wait3A_191 = tpu.memref_slice %arg4[%add3A_154, %dma_wait3A_190] : memref<10000x128xf32, #tpu.memory_space<hbm>> -> memref<16x128xf32, #tpu.memory_space<hbm>>
        tpu.wait_dma2 semaphore(%run_scoped3A : memref<!tpu.dma_semaphore, #tpu.memory_space<semaphore_mem>>) src(%arg6 : memref<16x128xf32, #tpu.memory_space<vmem>>) dst(%dma_wait3A_191 : memref<16x128xf32, #tpu.memory_space<hbm>>)
        tpu.yield
      }) : () -> ()
    } else {
    }
    %add3A_162 = arith.constant 288 : i32
    %add3A_163 = arith.addi %mul3A_2, %add3A_162 : i32
    %add3A_164 = arith.constant 16 : i32
    %add3A_165 = arith.addi %add3A_163, %add3A_164 : i32
    %le3A_166 = arith.constant 10000 : i32
    %le3A_167 = arith.cmpi sle, %add3A_165, %le3A_166 : i32
    %convert_element_type3A_168 = arith.extui %le3A_167 : i1 to i32
    %cond3A_169 = arith.constant 0 : i32
    %cond3A_170 = arith.cmpi ne, %convert_element_type3A_168, %cond3A_169 : i32
    scf.if %cond3A_170 {
      "tpu.region"() ({
        %run_scoped3A = tpu.sem_alloc : memref<!tpu.dma_semaphore, #tpu.memory_space<semaphore_mem>>
        %dma_start3A_184 = tpu.memref_slice %arg2[%add3A_163] : memref<10000xi32, #tpu.memory_space<hbm>> -> memref<16xi32, #tpu.memory_space<hbm>>
        %dma_start3A_185 = tpu.memref_slice %arg2[%add3A_163] : memref<10000xi32, #tpu.memory_space<hbm>> -> memref<16xi32, #tpu.memory_space<hbm>>
        tpu.enqueue_dma source(%dma_start3A_185 : memref<16xi32, #tpu.memory_space<hbm>>) target(%arg5 : memref<16xi32, #tpu.memory_space<vmem>>) target_semaphore(%run_scoped3A : memref<!tpu.dma_semaphore, #tpu.memory_space<semaphore_mem>>)
        %dma_wait3A_186 = tpu.memref_slice %arg2[%add3A_163] : memref<10000xi32, #tpu.memory_space<hbm>> -> memref<16xi32, #tpu.memory_space<hbm>>
        %dma_wait3A_187 = tpu.memref_slice %arg2[%add3A_163] : memref<10000xi32, #tpu.memory_space<hbm>> -> memref<16xi32, #tpu.memory_space<hbm>>
        tpu.wait_dma2 semaphore(%run_scoped3A : memref<!tpu.dma_semaphore, #tpu.memory_space<semaphore_mem>>) src(%dma_wait3A_187 : memref<16xi32, #tpu.memory_space<hbm>>) dst(%arg5 : memref<16xi32, #tpu.memory_space<vmem>>)
        tpu.yield
      }) : () -> ()
      %dma_start3A = arith.constant 0 : i32
      %dma_start3A_180 = arith.constant 0 : i32
      %dma_start3A_181 = tpu.memref_slice %arg3[%dma_start3A, %dma_start3A_180] : memref<100x128xf32, #tpu.memory_space<hbm>> -> memref<100x128xf32, #tpu.memory_space<hbm>>
      tpu.enqueue_indirect_dma source(%dma_start3A_181 : memref<100x128xf32, #tpu.memory_space<hbm>>) target(%arg6 : memref<16x128xf32, #tpu.memory_space<vmem>>) offsets(%arg5 : memref<16xi32, #tpu.memory_space<vmem>>) semaphore(%arg7 : memref<!tpu.dma_semaphore, #tpu.memory_space<semaphore_mem>>)
      %dma_wait3A = arith.constant 0 : i32
      %dma_wait3A_182 = arith.constant 0 : i32
      %dma_wait3A_183 = tpu.memref_slice %arg3[%dma_wait3A, %dma_wait3A_182] : memref<100x128xf32, #tpu.memory_space<hbm>> -> memref<100x128xf32, #tpu.memory_space<hbm>>
      tpu.wait_indirect_dma semaphore(%arg7 : memref<!tpu.dma_semaphore, #tpu.memory_space<semaphore_mem>>) src(%dma_wait3A_183 : memref<100x128xf32, #tpu.memory_space<hbm>>) dst(%arg6 : memref<16x128xf32, #tpu.memory_space<vmem>>)
      "tpu.region"() ({
        %run_scoped3A = tpu.sem_alloc : memref<!tpu.dma_semaphore, #tpu.memory_space<semaphore_mem>>
        %dma_start3A_184 = arith.constant 0 : i32
        %dma_start3A_185 = tpu.memref_slice %arg4[%add3A_163, %dma_start3A_184] : memref<10000x128xf32, #tpu.memory_space<hbm>> -> memref<16x128xf32, #tpu.memory_space<hbm>>
        %dma_start3A_186 = arith.constant 0 : i32
        %dma_start3A_187 = tpu.memref_slice %arg4[%add3A_163, %dma_start3A_186] : memref<10000x128xf32, #tpu.memory_space<hbm>> -> memref<16x128xf32, #tpu.memory_space<hbm>>
        tpu.enqueue_dma source(%arg6 : memref<16x128xf32, #tpu.memory_space<vmem>>) target(%dma_start3A_187 : memref<16x128xf32, #tpu.memory_space<hbm>>) target_semaphore(%run_scoped3A : memref<!tpu.dma_semaphore, #tpu.memory_space<semaphore_mem>>)
        %dma_wait3A_188 = arith.constant 0 : i32
        %dma_wait3A_189 = tpu.memref_slice %arg4[%add3A_163, %dma_wait3A_188] : memref<10000x128xf32, #tpu.memory_space<hbm>> -> memref<16x128xf32, #tpu.memory_space<hbm>>
        %dma_wait3A_190 = arith.constant 0 : i32
        %dma_wait3A_191 = tpu.memref_slice %arg4[%add3A_163, %dma_wait3A_190] : memref<10000x128xf32, #tpu.memory_space<hbm>> -> memref<16x128xf32, #tpu.memory_space<hbm>>
        tpu.wait_dma2 semaphore(%run_scoped3A : memref<!tpu.dma_semaphore, #tpu.memory_space<semaphore_mem>>) src(%arg6 : memref<16x128xf32, #tpu.memory_space<vmem>>) dst(%dma_wait3A_191 : memref<16x128xf32, #tpu.memory_space<hbm>>)
        tpu.yield
      }) : () -> ()
    } else {
    }
    %add3A_171 = arith.constant 304 : i32
    %add3A_172 = arith.addi %mul3A_2, %add3A_171 : i32
    %add3A_173 = arith.constant 16 : i32
    %add3A_174 = arith.addi %add3A_172, %add3A_173 : i32
    %le3A_175 = arith.constant 10000 : i32
    %le3A_176 = arith.cmpi sle, %add3A_174, %le3A_175 : i32
    %convert_element_type3A_177 = arith.extui %le3A_176 : i1 to i32
    %cond3A_178 = arith.constant 0 : i32
    %cond3A_179 = arith.cmpi ne, %convert_element_type3A_177, %cond3A_178 : i32
    scf.if %cond3A_179 {
      "tpu.region"() ({
        %run_scoped3A = tpu.sem_alloc : memref<!tpu.dma_semaphore, #tpu.memory_space<semaphore_mem>>
        %dma_start3A_184 = tpu.memref_slice %arg2[%add3A_172] : memref<10000xi32, #tpu.memory_space<hbm>> -> memref<16xi32, #tpu.memory_space<hbm>>
        %dma_start3A_185 = tpu.memref_slice %arg2[%add3A_172] : memref<10000xi32, #tpu.memory_space<hbm>> -> memref<16xi32, #tpu.memory_space<hbm>>
        tpu.enqueue_dma source(%dma_start3A_185 : memref<16xi32, #tpu.memory_space<hbm>>) target(%arg5 : memref<16xi32, #tpu.memory_space<vmem>>) target_semaphore(%run_scoped3A : memref<!tpu.dma_semaphore, #tpu.memory_space<semaphore_mem>>)
        %dma_wait3A_186 = tpu.memref_slice %arg2[%add3A_172] : memref<10000xi32, #tpu.memory_space<hbm>> -> memref<16xi32, #tpu.memory_space<hbm>>
        %dma_wait3A_187 = tpu.memref_slice %arg2[%add3A_172] : memref<10000xi32, #tpu.memory_space<hbm>> -> memref<16xi32, #tpu.memory_space<hbm>>
        tpu.wait_dma2 semaphore(%run_scoped3A : memref<!tpu.dma_semaphore, #tpu.memory_space<semaphore_mem>>) src(%dma_wait3A_187 : memref<16xi32, #tpu.memory_space<hbm>>) dst(%arg5 : memref<16xi32, #tpu.memory_space<vmem>>)
        tpu.yield
      }) : () -> ()
      %dma_start3A = arith.constant 0 : i32
      %dma_start3A_180 = arith.constant 0 : i32
      %dma_start3A_181 = tpu.memref_slice %arg3[%dma_start3A, %dma_start3A_180] : memref<100x128xf32, #tpu.memory_space<hbm>> -> memref<100x128xf32, #tpu.memory_space<hbm>>
      tpu.enqueue_indirect_dma source(%dma_start3A_181 : memref<100x128xf32, #tpu.memory_space<hbm>>) target(%arg6 : memref<16x128xf32, #tpu.memory_space<vmem>>) offsets(%arg5 : memref<16xi32, #tpu.memory_space<vmem>>) semaphore(%arg7 : memref<!tpu.dma_semaphore, #tpu.memory_space<semaphore_mem>>)
      %dma_wait3A = arith.constant 0 : i32
      %dma_wait3A_182 = arith.constant 0 : i32
      %dma_wait3A_183 = tpu.memref_slice %arg3[%dma_wait3A, %dma_wait3A_182] : memref<100x128xf32, #tpu.memory_space<hbm>> -> memref<100x128xf32, #tpu.memory_space<hbm>>
      tpu.wait_indirect_dma semaphore(%arg7 : memref<!tpu.dma_semaphore, #tpu.memory_space<semaphore_mem>>) src(%dma_wait3A_183 : memref<100x128xf32, #tpu.memory_space<hbm>>) dst(%arg6 : memref<16x128xf32, #tpu.memory_space<vmem>>)
      "tpu.region"() ({
        %run_scoped3A = tpu.sem_alloc : memref<!tpu.dma_semaphore, #tpu.memory_space<semaphore_mem>>
        %dma_start3A_184 = arith.constant 0 : i32
        %dma_start3A_185 = tpu.memref_slice %arg4[%add3A_172, %dma_start3A_184] : memref<10000x128xf32, #tpu.memory_space<hbm>> -> memref<16x128xf32, #tpu.memory_space<hbm>>
        %dma_start3A_186 = arith.constant 0 : i32
        %dma_start3A_187 = tpu.memref_slice %arg4[%add3A_172, %dma_start3A_186] : memref<10000x128xf32, #tpu.memory_space<hbm>> -> memref<16x128xf32, #tpu.memory_space<hbm>>
        tpu.enqueue_dma source(%arg6 : memref<16x128xf32, #tpu.memory_space<vmem>>) target(%dma_start3A_187 : memref<16x128xf32, #tpu.memory_space<hbm>>) target_semaphore(%run_scoped3A : memref<!tpu.dma_semaphore, #tpu.memory_space<semaphore_mem>>)
        %dma_wait3A_188 = arith.constant 0 : i32
        %dma_wait3A_189 = tpu.memref_slice %arg4[%add3A_172, %dma_wait3A_188] : memref<10000x128xf32, #tpu.memory_space<hbm>> -> memref<16x128xf32, #tpu.memory_space<hbm>>
        %dma_wait3A_190 = arith.constant 0 : i32
        %dma_wait3A_191 = tpu.memref_slice %arg4[%add3A_172, %dma_wait3A_190] : memref<10000x128xf32, #tpu.memory_space<hbm>> -> memref<16x128xf32, #tpu.memory_space<hbm>>
        tpu.wait_dma2 semaphore(%run_scoped3A : memref<!tpu.dma_semaphore, #tpu.memory_space<semaphore_mem>>) src(%arg6 : memref<16x128xf32, #tpu.memory_space<vmem>>) dst(%dma_wait3A_191 : memref<16x128xf32, #tpu.memory_space<hbm>>)
        tpu.yield
      }) : () -> ()
    } else {
    }
    return
  }
}

module attributes {stable_mosaic.version = 14 : i64} {
  func.func @_tc_body(%arg0: i32, %arg1: memref<1x1x12800xf32, #tpu.memory_space<vmem>>, %arg2: memref<64x1xf32, #tpu.memory_space<vmem>>, %arg3: memref<64x1xf32, #tpu.memory_space<vmem>>, %arg4: memref<64x128xf32, #tpu.memory_space<vmem>>, %arg5: memref<12800x128xf32, #tpu.memory_space<vmem>>) attributes {dimension_semantics = [#tpu.dimension_semantics<arbitrary>], iteration_bounds = array<i64: 25>, scalar_prefetch = 0 : i64, scratch_operands = 0 : i64, tpu.core_type = #tpu.core_type<tc>, window_params = [{transform_indices = @transform_0, window_bounds = array<i64: 1, 1, 12800>}, {pipeline_mode = #tpu.pipeline_mode<synchronous>, transform_indices = @transform_1, window_bounds = array<i64: 64, 1>}, {pipeline_mode = #tpu.pipeline_mode<synchronous>, transform_indices = @transform_2, window_bounds = array<i64: 64, 1>}, {pipeline_mode = #tpu.pipeline_mode<synchronous>, transform_indices = @transform_3, window_bounds = array<i64: 64, 128>}, {transform_indices = @transform_4, window_bounds = array<i64: 12800, 128>}]} {
    %get3A = arith.constant 0 : index
    %get3A_0 = arith.constant 0 : index
    %get3A_1 = arith.constant 0 : index
    %get3A_2 = vector.load %arg1[%get3A, %get3A_0, %get3A_1] : memref<1x1x12800xf32, #tpu.memory_space<vmem>>, vector<1x1x12800xf32>
    %get3A_3 = vector.shape_cast %get3A_2 : vector<1x1x12800xf32> to vector<1x12800xf32>
    %add3A = arith.constant 9.99999996E-13 : f32
    %add3A_4 = vector.broadcast %add3A : f32 to vector<1x12800xf32>
    %add3A_5 = arith.addf %get3A_3, %add3A_4 : vector<1x12800xf32>
    %sqrt3A = math.sqrt %add3A_5 : vector<1x12800xf32>
    %get3A_6 = arith.constant 0 : index
    %get3A_7 = arith.constant 0 : index
    %get3A_8 = vector.load %arg3[%get3A_6, %get3A_7] : memref<64x1xf32, #tpu.memory_space<vmem>>, vector<64x1xf32>
    %mul3A = arith.mulf %get3A_8, %get3A_8 : vector<64x1xf32>
    %div3A = arith.constant -5.000000e-01 : f32
    %div3A_9 = vector.broadcast %div3A : f32 to vector<64x1xf32>
    %div3A_10 = arith.divf %div3A_9, %mul3A : vector<64x1xf32>
    %get3A_11 = arith.constant 0 : index
    %get3A_12 = arith.constant 0 : index
    %get3A_13 = vector.load %arg2[%get3A_11, %get3A_12] : memref<64x1xf32, #tpu.memory_space<vmem>>, vector<64x1xf32>
    %sub3A = vector.broadcast %sqrt3A : vector<1x12800xf32> to vector<64x12800xf32>
    %sub3A_14 = vector.broadcast %get3A_13 : vector<64x1xf32> to vector<64x12800xf32>
    %sub3A_15 = arith.subf %sub3A, %sub3A_14 : vector<64x12800xf32>
    %mul3A_16 = arith.mulf %sub3A_15, %sub3A_15 : vector<64x12800xf32>
    %mul3A_17 = vector.broadcast %div3A_10 : vector<64x1xf32> to vector<64x12800xf32>
    %mul3A_18 = arith.mulf %mul3A_16, %mul3A_17 : vector<64x12800xf32>
    %exp3A = math.exp %mul3A_18 : vector<64x12800xf32>
    %convert_element_type3A = arith.truncf %exp3A : vector<64x12800xf32> to vector<64x12800xbf16>
    %get3A_19 = arith.constant 0 : index
    %get3A_20 = arith.constant 0 : index
    %get3A_21 = vector.load %arg4[%get3A_19, %get3A_20] : memref<64x128xf32, #tpu.memory_space<vmem>>, vector<64x128xf32>
    %convert_element_type3A_22 = arith.truncf %get3A_21 : vector<64x128xf32> to vector<64x128xbf16>
    %dot_general3A = arith.constant dense<0.000000e+00> : vector<12800x128xf32>
    %dot_general3A_23 = tpu.matmul %convert_element_type3A, %convert_element_type3A_22, %dot_general3A {dimension_numbers = #tpu.dot_dimension_numbers<[0], [0], [1], [1], [0, 1, 1, 1], [], []>, transpose_lhs_hint = false} : vector<64x12800xbf16>, vector<64x128xbf16>, vector<12800x128xf32> -> vector<12800x128xf32>
    %swap3A = arith.constant 0 : index
    %swap3A_24 = arith.constant 0 : index
    %swap3A_25 = vector.load %arg5[%swap3A, %swap3A_24] : memref<12800x128xf32, #tpu.memory_space<vmem>>, vector<12800x128xf32>
    tpu.vector_store %arg5[%swap3A, %swap3A_24], %dot_general3A_23 {strides = array<i32>} : memref<12800x128xf32, #tpu.memory_space<vmem>>, vector<12800x128xf32>,
    return
  }
  func.func @transform_0(%arg0: i32) -> (i32, i32, i32) {
    %c0_i32 = arith.constant 0 : i32
    %c0_i32_0 = arith.constant 0 : i32
    %c0_i32_1 = arith.constant 0 : i32
    return %arg0, %c0_i32, %c0_i32_0 : i32, i32, i32
  }
  func.func @transform_1(%arg0: i32) -> (i32, i32) {
    %c0_i32 = arith.constant 0 : i32
    %c0_i32_0 = arith.constant 0 : i32
    %c0_i32_1 = arith.constant 0 : i32
    return %c0_i32, %c0_i32_0 : i32, i32
  }
  func.func @transform_2(%arg0: i32) -> (i32, i32) {
    %c0_i32 = arith.constant 0 : i32
    %c0_i32_0 = arith.constant 0 : i32
    %c0_i32_1 = arith.constant 0 : i32
    return %c0_i32, %c0_i32_0 : i32, i32
  }
  func.func @transform_3(%arg0: i32) -> (i32, i32) {
    %c0_i32 = arith.constant 0 : i32
    %c0_i32_0 = arith.constant 0 : i32
    %c0_i32_1 = arith.constant 0 : i32
    return %c0_i32, %c0_i32_0 : i32, i32
  }
  func.func @transform_4(%arg0: i32) -> (i32, i32) {
    %c0_i32 = arith.constant 0 : i32
    %c0_i32_0 = arith.constant 0 : i32
    return %arg0, %c0_i32 : i32, i32
  }
}

</mosaic_0001>

<sc_bundles>
// kernel: kernel.5.cloned.1.call-start
scs
__scs_entry_jumppad:
0x0: {  	(pc) =	sbr.rel $0x88, $3  }
0x1: {  	(tag) =	ssettag $0x0;
	lr =	simm.s32 $0x1  }
0x2: {  	[smem:$0x3F93] =	sst lr;
	_ =	strace $0xD0000000  }
0x3: {  	_ = 	snop  }
0x4: {  	_ = 	snop  }
0x5: {  	_ = 	snop  }
0x6: {  	_ = 	snop  }
0x7: {  	_ = 	snop  }
__scs_overlays_trampoline_lowered:
0x8: {  	[smem:$0x3FA2] =	sst s0  }
0x9: {  	[smem:$0x3FA3] =	sst s1  }
0xa: {  	[smem:$0x3FA4] =	sst s2  }
0xb: {  	[smem:$0x3FA5] =	sst s3  }
0xc: {  	[smem:$0x3FA6] =	sst s4  }
0xd: {  	[smem:$0x3FA7] =	sst s5  }
0xe: {  	[smem:$0x3FA8] =	sst s6  }
0xf: {  	[smem:$0x3FA9] =	sst s7  }
0x10: {  	[smem:$0x3FAA] =	sst s8  }
0x11: {  	[smem:$0x3FAB] =	sst s9;
	s0 =	simm.s32 @!p0 $0x0  }
0x12: {  	s1 =	sld [smem:$0x3F91];
	s0 =	simm.s32 @p0 $0x1  }
0x13: {  	[smem:$0x3FAC] =	sst s0;
	s0 =	simm.s32 @!p1 $0x0  }
0x14: {  	s2 =	sld [smem:$0x3F90];
	s0 =	simm.s32 @p1 $0x1  }
0x15: {  	[smem:$0x3FAD] =	sst s0;
	s0 =	simm.s32 @!p2 $0x0  }
0x16: {  	s3 =	sld [smem:$0x3FDB];
	s0 =	simm.s32 @p2 $0x1  }
0x17: {  	s4 =	simm.s32 $0x1BF5;
	[smem:$0x3FAF] =	sst s0  }
0x18: {  	s0 =	sld [smem:$0x3F92];
	_ =	swait.ge [sflag:s4], $0x0  }
0x19: {  	s7 =	sld [smem:$0x3F93]  }
0x1a: {  	s8 =	sadd.s32 $0xFFFFE003, lr  }
0x1b: {  	s9 =	sadd.s32 $0xFFFFFEF7, lr;
	s5 =	simm.s32 $0xFFFFFFFF;
	p2 =	slt.u32 s8, $0xFFFFF086  }
0x1c: {  	p1 =	slt.u32 s9, $0xF7A;
	s5 =	simm.s32 @!p2 $0x0  }
0x1d: {  	s5 =	simm.s32 @p1 $0x1;
	p0 =	seq.s32 s7, s2  }
0x1e: {  	s7 =	smul.u32 @!p0 $0xF7A, s2;
	p2 =	seq.s32 @!p0 s5, $0x0  }
0x1f: {  	s9 =	smul.u32 $0xF7A, s1;
	s8 =	simm.s32 @!p0 $0x1BF5;
	p2 =	por !p2, p0  }
0x20: {  	[sflag:s8] =	ssyncset.s32 @!p0 $0xFFFFF086;
	s6 =	sadd.s32 @!p0 s3, s7;
	s7 =	simm.s32 @!p0 $0x108  }
0x21: {  	s3 =	sadd.s32 s3, s9;
	s6 =	sadd.s32 @!p0 $0x88, s6;
	s7 =	simm.s32 @p2 $0x1082  }
0x22: {  	[simem:s7], [sflag:s8] =	dma.local @!p0 [hbm:s6], $0xF7A  }
0x23: {  	s9 =	sor.u32 $0xD0000000, s2;
	s6 =	simm.s32 $0x108;
	_ =	swait.ge @!p0 [sflag:s8], $0x0  }
0x24: {  	s3 =	sadd.s32 $0x88, s3;
	s6 =	simm.s32 @!p1 $0x1082;
	[sflag:s4] =	ssyncset.s32 $0xFFFFF086  }
0x25: {  	[simem:s6], [sflag:s4] =	dma.local [hbm:s3], $0xF7A  }
0x26: {  	[smem:$0x3F93] =	sst s1;
	(tag) =	ssettag s2;
	_ =	strace s9  }
0x27: {  	s1 =	sld [smem:$0x3FA3]  }
0x28: {  	s2 =	sld [smem:$0x3FA4]  }
0x29: {  	s4 =	sld [smem:$0x3FA6]  }
0x2a: {  	p0 =	seq.s32 s5, $0x0;
	s5 =	sld [smem:$0x3FA7]  }
0x2b: {  	s6 =	sld [smem:$0x3FA8]  }
0x2c: {  	s7 =	sld [smem:$0x3FA9]  }
0x2d: {  	s3 =	simm.s32 $0x108;
	s8 =	sld [smem:$0x3FAA]  }
0x2e: {  	s3 =	simm.s32 @!p0 $0x1082;
	s9 =	sld [smem:$0x3FAB]  }
0x2f: {  	lr =	sadd.s32 s0, s3;
	s0 =	sld [smem:$0x3FA2]  }
0x30: {  	s3 =	sld [smem:$0x3FA5]  }
0x31: {  	[smem:$0x3FAE] =	sst s10  }
0x32: {  	s10 =	sld [smem:$0x3FAC];
	_ =	sdelay $0x3  }
0x33: {  	p0 =	seq.s32 s10, $0x1;
	s10 =	sld [smem:$0x3FAE];
	_ =	sdelay $0x3  }
0x34: {  	[smem:$0x3FAE] =	sst s10  }
0x35: {  	s10 =	sld [smem:$0x3FAD];
	_ =	sdelay $0x3  }
0x36: {  	p1 =	seq.s32 s10, $0x1;
	s10 =	sld [smem:$0x3FAE];
	_ =	sdelay $0x3  }
0x37: {  	[smem:$0x3FAE] =	sst s10  }
0x38: {  	s10 =	sld [smem:$0x3FAF]  }
0x39: {  	_ = 	snop;
	(pc) =	sbr.ind lr, $3  }
0x3a: {  	_ = 	snop  }
0x3b: {  	_ = 	snop  }
0x3c: {  	p2 =	seq.s32 s10, $0x1;
	s10 =	sld [smem:$0x3FAE]  }
0x3d: {  	_ =	shalt  }
0x3e: {  	_ =	shalt  }
0x3f: {  	_ =	shalt  }
0x40: {  	_ =	shalt  }
0x41: {  	_ =	shalt  }
0x42: {  	_ =	shalt  }
0x43: {  	_ =	shalt  }
0x44: {  	_ =	shalt  }
0x45: {  	_ =	shalt  }
0x46: {  	_ =	shalt  }
0x47: {  	_ =	shalt  }
0x48: {  	_ =	shalt  }
0x49: {  	_ =	shalt  }
0x4a: {  	_ =	shalt  }
0x4b: {  	_ =	shalt  }
0x4c: {  	_ =	shalt  }
0x4d: {  	_ =	shalt  }
0x4e: {  	_ =	shalt  }
0x4f: {  	_ =	shalt  }
0x50: {  	_ =	shalt  }
0x51: {  	_ =	shalt  }
0x52: {  	_ =	shalt  }
0x53: {  	_ =	shalt  }
0x54: {  	_ =	shalt  }
0x55: {  	_ =	shalt  }
0x56: {  	_ =	shalt  }
0x57: {  	_ =	shalt  }
0x58: {  	_ =	shalt  }
0x59: {  	_ =	shalt  }
0x5a: {  	_ =	shalt  }
0x5b: {  	_ =	shalt  }
0x5c: {  	_ =	shalt  }
0x5d: {  	_ =	shalt  }
0x5e: {  	_ =	shalt  }
0x5f: {  	_ =	shalt  }
0x60: {  	_ =	shalt  }
0x61: {  	_ =	shalt  }
0x62: {  	_ =	shalt  }
0x63: {  	_ =	shalt  }
0x64: {  	_ =	shalt  }
0x65: {  	_ =	shalt  }
0x66: {  	_ =	shalt  }
0x67: {  	_ =	shalt  }
0x68: {  	_ =	shalt  }
0x69: {  	_ =	shalt  }
0x6a: {  	_ =	shalt  }
0x6b: {  	_ =	shalt  }
0x6c: {  	_ =	shalt  }
0x6d: {  	_ =	shalt  }
0x6e: {  	_ =	shalt  }
0x6f: {  	_ =	shalt  }
0x70: {  	_ =	shalt  }
0x71: {  	_ =	shalt  }
0x72: {  	_ =	shalt  }
0x73: {  	_ =	shalt  }
0x74: {  	_ =	shalt  }
0x75: {  	_ =	shalt  }
0x76: {  	_ =	shalt  }
0x77: {  	_ =	shalt  }
0x78: {  	_ =	shalt  }
0x79: {  	_ =	shalt  }
0x7a: {  	_ =	shalt  }
0x7b: {  	_ =	shalt  }
0x7c: {  	_ =	shalt  }
0x7d: {  	_ =	shalt  }
0x7e: {  	_ =	shalt  }
0x7f: {  	_ =	shalt  }
0x80: {  	_ =	shalt  }
0x81: {  	_ =	shalt  }
0x82: {  	_ =	shalt  }
0x83: {  	_ =	shalt  }
0x84: {  	_ =	shalt  }
0x85: {  	_ =	shalt  }
0x86: {  	_ =	shalt  }
0x87: {  	_ =	shalt  }
.Lfunc_end0:
.L_simem_size_0:
called_computation_lowered:
.L_overlay_start_0:
0x88: {  	s2 =	sld [smem:$0x3FD9]  }
0x89: {  	s3 =	sld [smem:$0x3FFE];
	_ =	sdelay $0x1  }
0x8a: {  	s1 =	srdreg.scid  }
0x8b: {  	s0 =	sand.u32 $0x1, s1  }
0x8c: {  	s14 =	sshll.u32 s0, $0xA;
	s2 =	sadd.s32 s3, s2  }
0x8d: {  	s2 =	sadd.s32 s2, s14  }
0x8e: {  	[smem:$0x3FBA] =	sst s2  }
0x8f: {  	_ = 	snop  }
0x90: {  	s2 =	sld [smem:$0x3FD0]  }
0x91: {  	s15 =	sld [smem:$0x3FC8]  }
0x92: {  	s4 =	sld [smem:$0x3FC7]  }
0x93: {  	s6 =	simm.s32 $0xB;
	s7 =	simm.s32 $0x10;
	s5 =	sld [smem:$0x3FC2]  }
0x94: {  	[smem:s7], [sflag:s6] =	dma.local [hbm:s2], $0x1  }
0x95: {  	_ =	swait.eq [sflag:s6], $0x1  }
0x96: {  	[sflag:s6] =	ssyncset.done $0x0  }
0x97: {  	s8 =	sld [smem:$0x12];
	[sflag:s6] =	ssyncadd.s32 $0xFFFFFFFF  }
0x98: {  	s2 =	sadd.s32 $0x1, s2;
	s9 =	sld [smem:$0x16]  }
0x99: {  	[smem:s7], [sflag:s6] =	dma.local [hbm:s2], $0x1  }
0x9a: {  	_ =	swait.eq [sflag:s6], $0x1  }
0x9b: {  	[sflag:s6] =	ssyncset.done $0x0  }
0x9c: {  	[sflag:s6] =	ssyncadd.s32 $0xFFFFFFFF  }
0x9d: {  	s16 =	sld [smem:$0x10];
	(tm) =	ssettm $0x1  }
0x9e: {  	s17 =	sld [smem:$0x3FFB];
	_ =	sdelay $0x3  }
0x9f: {  	_ =	strace s17  }
0xa0: {  	s6 =	sld [smem:$0x3FFC];
	_ =	sdelay $0x3  }
0xa1: {  	_ =	strace s6  }
0xa2: {  	s6 =	sld [smem:$0x3FFD];
	_ =	sdelay $0x3  }
0xa3: {  	_ =	strace s6  }
0xa4: {  	_ =	strace $0x8FFFFFFF  }
0xa5: {  	s18 =	sld [smem:$0x3FDB];
	_ =	sdelay $0x1  }
0xa6: {  	s19 =	simm.s32 $_scs_section_size  }
0xa7: {  	s10 =	simm.s32 $_size__tile_overlayer_lowered;
	s11 =	simm.s32 $_tile_overlayer_lowered  }
0xa8: {  	s22 =	simm.s32 $0x1BFF;
	s21 =	sshll.u32 s11, $0x1;
	s6 =	sadd.s32 s19, s18  }
0xa9: {  	s12 =	simm.s32 $0x0;
	s20 =	sshll.u32 s10, $0x1;
	s10 =	sadd.s32 s21, s6  }
0xaa: {  	[timem:s12], [sflag:s22] =	dma.local [hbm:s10], s20  }
0xab: {  	_ =	swait.ge [sflag:s22], s20  }
0xac: {  	s7 =	ssub.s32 $0x0, s20;
	[sflag:s22] =	ssyncset.done $0x0  }
0xad: {  	[sflag:s22] =	ssyncadd.s32 s7;
	_ =	sdelay $0x1  }
0xae: {  	s23 =	simm.s32 $0x1B8B  }
0xaf: {  	_ =	swait.ge [sflag:s23], $0x1  }
0xb0: {  	[sflag:s23] =	ssyncset.done $0x0  }
0xb1: {  	s25 =	simm.s32 $0x1B8E;
	s24 =	sld [smem:$0x3FFE];
	[sflag:s23] =	ssyncadd.s32 $0xFFFFFFFF  }
0xb2: {  	s26 =	simm.s32 $execute0_lowered;
	[smem:$0x3FD2] =	sst s25  }
0xb3: {  	s10 =	sshll.u32 s26, $0x1;
	_ =	strace $0x80000046;
	[dreg:$0x1] =	wrdreg $0xFFFFFFFF  }
0xb4: {  	s28 =	simm.s32 $_size_execute0_lowered;
	s6 =	sadd.s32 s6, s10;
	[dreg:$0x0] =	wrdreg $0x0  }
0xb5: {  	s10 =	sshll.u32 s28, $0x1;
	[dreg:$0x2] =	wrdreg s6  }
0xb6: {  	[dreg:$0x3] =	wrdreg s10  }
0xb7: {  	[dreg:$0x4] =	wrdreg $0xC0  }
0xb8: {  	_ =	task [dreg:s12], $0x5FFFF  }
0xb9: {  	[dreg:$0x1] =	wrdreg $0xFFFFFFFF  }
0xba: {  	[dreg:$0x0] =	wrdreg $0x60  }
0xbb: {  	[dreg:$0x2] =	wrdreg s15  }
0xbc: {  	[dreg:$0x3] =	wrdreg s4  }
0xbd: {  	[dreg:$0x4] =	wrdreg s5  }
0xbe: {  	[dreg:$0x5] =	wrdreg s24  }
0xbf: {  	[dreg:$0x6] =	wrdreg s8  }
0xc0: {  	[dreg:$0x7] =	wrdreg s9  }
0xc1: {  	[dreg:$0x8] =	wrdreg s16  }
0xc2: {  	[dreg:$0x9] =	wrdreg $0x9  }
0xc3: {  	_ =	task.clear_ibuf [dreg:s12], $0xAFFFF;
	_ =	strace $0x90000046  }
0xc4: {  	s29 =	simm.s32 $0x9;
	_ =	strace $0x80000048  }
0xc5: {  	_ =	swait.ge [sflag:s29], $0x1  }
0xc6: {  	[sflag:s29] =	ssyncadd.s32 $0xFFFFFFFF  }
0xc7: {  	_ =	strace $0x90000048  }
0xc8: {  	_ =	sfence  }
0xc9: {  	s30 =	sld [smem:$0x0];
	_ =	sdelay $0x2  }
0xca: {  	s31 =	sshll.u32 s1, $0xD;
	s1 =	sshrl.u32 s1, $0x2  }
0xcb: {  	s3 =	sand.u32 $0x4000, s31;
	s1 =	sadd.s32 s1, s30  }
0xcc: {  	s0 =	sor.u32 s3, s0;
	s1 =	sshll.u32 s1, $0x11  }
0xcd: {  	s0 =	sor.u32 s1, s0  }
0xce: {  	s0 =	sadd.s32 $0x8F2B, s0  }
0xcf: {  	[sflag:s0] =	ssyncadd.remote.s32 $0x1  }
0xd0: {  	_ =	sfence.sel $0xFFFF  }
0xd1: {  	[dreg:$0x0] =	wrdreg $0xFFFFFFFF;
	(pc) =	sbr.abs _section_cstart, $3  }
0xd2: {  	[dreg:$0x1] =	wrdreg $0xFFFFFFFF  }
0xd3: {  	_ =	task.clear_ibuf [dreg:s12], $0x2FFFF;
	_ =	strace $0x9FFFFFFF  }
0xd4: {  	(tm) =	ssettm $0x7FFFFFFF  }
0xd5: {  	_ =	shalt  }
tec
execute0_lowered:
.L_overlay_start_1:
0x0: {  	(tag) =	ssettag $0x1  }
0x1: {  	s5 =	rddreg [dreg:$0x0]  }
0x2: {  	s6 =	rddreg [dreg:$0x1]  }
0x3: {  	s7 =	rddreg [dreg:$0x2]  }
0x4: {  	s8 =	rddreg [dreg:$0x3]  }
0x5: {  	s1 =	rddreg [dreg:$0x4]  }
0x6: {  	s3 =	rddreg [dreg:$0x5];
	s2 =	srdreg.scid  }
0x7: {  	s0 =	stileid.u32;
	s9 =	rddreg [dreg:$0x6];
	s14 =	simm.s32 $0x4F00  }
0x8: {  	s15 =	simm.s32 $0x7680;
	s16 =	simm.s32 $0x1;
	s17 =	simm.s32 $0xEC00  }
0x9: {  	s18 =	simm.s32 $0x2;
	s10 =	sand.u32 $0x1, s2;
	s4 =	sshll.u32 s0, $0x1  }
0xa: {  	s19 =	simm.s32 $0x0;
	s2 =	rddreg [dreg:$0x7];
	s11 =	sor.u32 s10, s4  }
0xb: {  	s4 =	simm.s32 $0x0;
	s10 =	ssub.s32 $0x2, s10;
	s12 =	smul.u32 $0xEA6, s11  }
0xc: {  	v0 =	vlaneseq.u32;
	[smem:$0x7FF] =	sst s4;
	s13 =	sshrl.u32 s10, $0x1;
	s11 =	smul.u32 $0x4E2, s11  }
0xd: {  	v0 =	vmul.u32 $0x3, v0;
	_ =	strace $0x80000047;
	s10 =	ssub.s32 s10, s13;
	s13 =	simm.s32 $0x2780  }
0xe: {  	s8 =	sadd.s32 s12, s8;
	s5 =	sadd.s32 s5, s11;
	s6 =	sadd.s32 s6, s11  }
0xf: {  	v1 =	vadd.s32 $0x1, v0;
	v2 =	vadd.s32 $0x2, v0;
	s7 =	sadd.s32 s7, s11;
	s9 =	sadd.s32 s9, s11;
	s10 =	smax.u32 s10, $0x1  }
0x10: {  	v3 =	vor.u32 $0x7500, v0;
	v4 =	vadd.s32 $0x7501, v0;
	v5 =	vadd.s32 $0x7502, v0;
	s11 =	simm.s32 $0x11380;
	s12 =	simm.s32 $0x18900;
	s8 =	sadd.s32 $0x1E00, s8  }
.LBB2_1:
0x11: {  	[tilespmem:s11], [sflag:$0x1] =	stream.linear.gather [hbm4b:s1+s4], $0x7580, $0x38;
	[tilespmem:$0x18980] =	vst v63  }
0x12: {  	_ = 	snop  }
0x13: {  	[tilespmem:s12], [sflag:$0x1] =	stream.linear.gather [hbm4b:s3+s4], $0x80, $0x38;
	[tilespmem:$0x18980] =	vst v63  }
0x14: {  	_ = 	snop  }
0x15: {  	[tilespmem:s4], [sflag:$0x1] =	stream.linear.gather [hbm4b:s5+s4], $0x2710, $0x38;
	[tilespmem:$0x18980] =	vst v63  }
0x16: {  	_ = 	snop  }
0x17: {  	[tilespmem:s13], [sflag:$0x1] =	stream.linear.gather [hbm4b:s6+s4], $0x2710, $0x38;
	[tilespmem:$0x18980] =	vst v63  }
0x18: {  	_ = 	snop  }
0x19: {  	[tilespmem:s14], [sflag:$0x1] =	stream.linear.gather [hbm4b:s7+s4], $0x2710, $0x38;
	[tilespmem:$0x18980] =	vst v63  }
0x1a: {  	_ = 	snop  }
0x1b: {  	[tilespmem:s15], [sflag:$0x1] =	stream.linear.gather [hbm4b:s8+s4], $0x7530, $0x38;
	[tilespmem:$0x18980] =	vst v63  }
0x1c: {  	_ =	swait.ge [sflag:s16], $0x7580  }
0x1d: {  	[sflag:s16] =	ssyncset.done $0x0  }
0x1e: {  	[sflag:s16] =	ssyncadd.s32 $0xFFFF8A80  }
0x1f: {  	_ =	swait.ge [sflag:s16], $0x80  }
0x20: {  	[sflag:s16] =	ssyncset.done $0x0  }
0x21: {  	[sflag:s16] =	ssyncadd.s32 $0xFFFFFF80  }
0x22: {  	_ =	swait.ge [sflag:s16], $0x2710  }
0x23: {  	[sflag:s16] =	ssyncset.done $0x0  }
0x24: {  	[sflag:s16] =	ssyncadd.s32 $0xFFFFD8F0  }
0x25: {  	_ =	swait.ge [sflag:s16], $0x2710  }
0x26: {  	[sflag:s16] =	ssyncset.done $0x0  }
0x27: {  	[sflag:s16] =	ssyncadd.s32 $0xFFFFD8F0  }
0x28: {  	_ =	swait.ge [sflag:s16], $0x2710  }
0x29: {  	[sflag:s16] =	ssyncset.done $0x0  }
0x2a: {  	[sflag:s16] =	ssyncadd.s32 $0xFFFFD8F0  }
0x2b: {  	_ =	swait.ge [sflag:s16], $0x7530  }
0x2c: {  	[sflag:s16] =	ssyncset.done $0x0  }
0x2d: {  	s22 =	simm.s32 $0x20;
	[sflag:s16] =	ssyncadd.s32 $0xFFFF8AD0  }
0x2e: {  	s20 =	simm.s32 $0x27A0;
	v6 =	vld [tilespmem:s22+$0x10]  }
0x2f: {  	s21 =	simm.s32 $0x4F20;
	v7 =	vld [tilespmem:s20+$0x10]  }
0x30: {  	s23 =	simm.s32 $0x90;
	v8 =	vld [tilespmem:s21+$0x10]  }
0x31: {  	v10 =	vadd.s32 s23, v2;
	v9 =	vld [tilespmem:s20+$0xFFFFFFE0]  }
0x32: {  	v12 =	vadd.s32 s23, v0;
	v11 =	vld [tilespmem:s21+$0xFFFFFFE0]  }
0x33: {  	v14 =	vadd.s32 s23, v1;
	v13 =	vld [tilespmem:s22+$0xFFFFFFF0]  }
0x34: {  	v15 =	vld [tilespmem:s20+$0xFFFFFFF0]  }
0x35: {  	v16 =	vld [tilespmem:s21+$0xFFFFFFF0]  }
0x36: {  	v10 =	vld.idx.msk [tilespmem:v10+s15+$0x0], $0xffff  }
0x37: {  	s30 =	simm.s32 $0x30;
	v12 =	vld.idx.msk [tilespmem:v12+s15+$0x0], $0xffff  }
0x38: {  	v42 =	vadd.s32 s30, v1;
	v14 =	vld.idx.msk [tilespmem:v14+s15+$0x0], $0xffff;
	v6 =	vmul.u32 $0x3, v6  }
0x39: {  	v25 =	vld [tilespmem:s22+$0x0];
	v7 =	vmul.u32 $0x3, v7  }
0x3a: {  	v31 =	vld [tilespmem:s22+$0xFFFFFFE0];
	v8 =	vmul.u32 $0x3, v8  }
0x3b: {  	v27 =	vld [tilespmem:s20+$0x0];
	v9 =	vmul.u32 $0x3, v9  }
0x3c: {  	v29 =	vld [tilespmem:s21+$0x0];
	v11 =	vmul.u32 $0x3, v11  }
0x3d: {  	v59 =	vld.idx.msk [tilespmem:v42+s15+$0x0], $0xffff;
	v13 =	vmul.u32 $0x3, v13  }
0x3e: {  	v15 =	vmul.u32 $0x3, v15;
	v17 =	vadd.s32 $0x2, v6;
	v18 =	vadd.s32 $0x1, v6;
	v6 =	vld.idx.msk [tilespmem:v6+s11+$0x0], $0xffff  }
0x3f: {  	v31 =	vmul.u32 $0x3, v31;
	v20 =	vld.idx.msk [tilespmem:v7+s11+$0x0], $0xffff  }
0x40: {  	v16 =	vmul.u32 $0x3, v16;
	v22 =	vld.idx.msk [tilespmem:v8+s12+$0x0], $0xffff  }
0x41: {  	v25 =	vmul.u32 $0x3, v25;
	v33 =	vld.idx.msk [tilespmem:v9+s11+$0x0], $0xffff  }
0x42: {  	v36 =	vld.idx.msk [tilespmem:v11+s12+$0x0], $0xffff  }
0x43: {  	v38 =	vld.idx.msk [tilespmem:v13+s11+$0x0], $0xffff  }
0x44: {  	v39 =	vld.idx.msk [tilespmem:v15+s11+$0x0], $0xffff  }
0x45: {  	v19 =	vadd.s32 $0x1, v7;
	v41 =	vld.idx.msk [tilespmem:v31+s11+$0x0], $0xffff  }
0x46: {  	v21 =	vadd.s32 $0x1, v8;
	v43 =	vld.idx.msk [tilespmem:v16+s12+$0x0], $0xffff  }
0x47: {  	v23 =	vadd.s32 $0x1, v9;
	v45 =	vld.idx.msk [tilespmem:v25+s11+$0x0], $0xffff  }
0x48: {  	v24 =	vadd.s32 $0x1, v11;
	v17 =	vld.idx.msk [tilespmem:v17+s11+$0x0], $0xffff  }
0x49: {  	v26 =	vadd.s32 $0x1, v13;
	v18 =	vld.idx.msk [tilespmem:v18+s11+$0x0], $0xffff  }
0x4a: {  	v28 =	vadd.s32 $0x1, v15;
	v19 =	vld.idx.msk [tilespmem:v19+s11+$0x0], $0xffff  }
0x4b: {  	v27 =	vmul.u32 $0x3, v27;
	v30 =	vadd.s32 $0x1, v16;
	v21 =	vld.idx.msk [tilespmem:v21+s12+$0x0], $0xffff  }
0x4c: {  	v32 =	vadd.s32 $0x1, v25;
	v23 =	vld.idx.msk [tilespmem:v23+s11+$0x0], $0xffff  }
0x4d: {  	v29 =	vmul.u32 $0x3, v29;
	v34 =	vadd.s32 $0x1, v27;
	v24 =	vld.idx.msk [tilespmem:v24+s12+$0x0], $0xffff  }
0x4e: {  	v35 =	vadd.s32 $0x1, v31;
	v26 =	vld.idx.msk [tilespmem:v26+s11+$0x0], $0xffff  }
0x4f: {  	v37 =	vadd.s32 $0x1, v29;
	v28 =	vld.idx.msk [tilespmem:v28+s11+$0x0], $0xffff  }
0x50: {  	v7 =	vadd.s32 $0x2, v7;
	v30 =	vld.idx.msk [tilespmem:v30+s12+$0x0], $0xffff  }
0x51: {  	v8 =	vadd.s32 $0x2, v8;
	v32 =	vld.idx.msk [tilespmem:v32+s11+$0x0], $0xffff  }
0x52: {  	v34 =	vld.idx.msk [tilespmem:v34+s11+$0x0], $0xffff  }
0x53: {  	v9 =	vadd.s32 $0x2, v9;
	v35 =	vld.idx.msk [tilespmem:v35+s11+$0x0], $0xffff  }
0x54: {  	v37 =	vld.idx.msk [tilespmem:v37+s12+$0x0], $0xffff  }
0x55: {  	s31 =	simm.s32 $0x60;
	v40 =	vadd.s32 s30, v0;
	v7 =	vld.idx.msk [tilespmem:v7+s11+$0x0], $0xffff  }
0x56: {  	v58 =	vor.u32 s4, v2;
	v44 =	vadd.s32 s31, v0;
	v60 =	vadd.s32 s30, v2;
	v8 =	vld.idx.msk [tilespmem:v8+s12+$0x0], $0xffff  }
0x57: {  	v6 =	vadd.f32 v20, v6;
	v20 =	vadd.s32 s31, v1;
	v12 =	vmul.f32 v12, v22;
	v22 =	vld.idx.msk [tilespmem:v27+s11+$0x0], $0xffff  }
0x58: {  	v11 =	vadd.s32 $0x2, v11;
	v62 =	vld.idx.msk [tilespmem:v9+s11+$0x0], $0xffff;
	v18 =	vadd.f32 v19, v18;
	v19 =	vor.u32 s4, v0  }
0x59: {  	v14 =	vmul.f32 v14, v21;
	v21 =	vld.idx.msk [tilespmem:v29+s12+$0x0], $0xffff;
	v6 =	vadd.f32 v12, v6;
	v12 =	vor.u32 s4, v1  }
0x5a: {  	v13 =	vadd.s32 $0x2, v13;
	v15 =	vadd.s32 $0x2, v15;
	v7 =	vadd.f32 v7, v17;
	v17 =	vld.idx.msk [tilespmem:v40+s15+$0x0], $0xffff  }
0x5b: {  	v16 =	vadd.s32 $0x2, v16;
	v14 =	vadd.f32 v14, v18;
	v8 =	vmul.f32 v10, v8;
	v10 =	vld.idx.msk [tilespmem:v44+s15+$0x0], $0xffff  }
0x5c: {  	v61 =	vadd.f32 v39, v38;
	v29 =	vadd.s32 $0x2, v29;
	v18 =	vadd.s32 $0x2, v31;
	v20 =	vld.idx.msk [tilespmem:v20+s15+$0x0], $0xffff  }
0x5d: {  	v26 =	vadd.f32 v28, v26;
	v6 =	vmul.f32 v6, v6;
	v14 =	vmul.f32 v14, v14;
	v19 =	vld.idx.msk [tilespmem:v19+s15+$0x0], $0xffff  }
0x5e: {  	v9 =	vadd.f32 v34, v32;
	v23 =	vadd.f32 v23, v35;
	v30 =	vmul.f32 v59, v30;
	v12 =	vld.idx.msk [tilespmem:v12+s15+$0x0], $0xffff  }
0x5f: {  	v13 =	vld.idx.msk [tilespmem:v13+s11+$0x0], $0xffff;
	v7 =	vadd.f32 v8, v7;
	v6 =	vadd.f32 v14, v6;
	v14 =	vadd.s32 $0x2, v25  }
0x60: {  	v63 =	vld.idx.msk [tilespmem:v15+s11+$0x0], $0xffff;
	v15 =	vadd.f32 v30, v26;
	v22 =	vadd.f32 v22, v45;
	v25 =	vadd.s32 $0x2, v27  }
0x61: {  	v8 =	vadd.s32 s31, v2;
	v27 =	vld.idx.msk [tilespmem:v18+s11+$0x0], $0xffff;
	v7 =	vmul.f32 v7, v7;
	v17 =	vmul.f32 v17, v43  }
0x62: {  	v18 =	vld.idx.msk [tilespmem:v11+s12+$0x0], $0xffff;
	v11 =	vadd.f32 v33, v41;
	v10 =	vmul.f32 v10, v21;
	v20 =	vmul.f32 v20, v37  }
0x63: {  	v16 =	vld.idx.msk [tilespmem:v16+s12+$0x0], $0xffff;
	v19 =	vmul.f32 v19, v36;
	v17 =	vadd.f32 v17, v61;
	v12 =	vmul.f32 v12, v24  }
0x64: {  	v21 =	vadd.f32 v10, v22;
	v20 =	vadd.f32 v20, v9;
	v9 =	vld.idx.msk [tilespmem:v14+s11+$0x0], $0xffff;
	v14 =	vmul.f32 v15, v15  }
0x65: {  	v10 =	vld.idx.msk [tilespmem:v25+s11+$0x0], $0xffff;
	v11 =	vadd.f32 v19, v11;
	v17 =	vmul.f32 v17, v17;
	v12 =	vadd.f32 v12, v23  }
0x66: {  	v6 =	vadd.f32 v7, v6;
	v24 =	vld.idx.msk [tilespmem:v8+s15+$0x0], $0xffff;
	v7 =	vmul.f32 v21, v21;
	v15 =	vmul.f32 v20, v20  }
0x67: {  	v22 =	vadd.f32 v63, v13;
	v25 =	vld.idx.msk [tilespmem:v58+s15+$0x0], $0xffff;
	v11 =	vmul.f32 v11, v11;
	v12 =	vmul.f32 v12, v12  }
0x68: {  	s22 =	simm.s32 $0xEC20;
	v21 =	vld.idx.msk [tilespmem:v29+s12+$0x0], $0xffff;
	v20 =	vadd.f32 v62, v27;
	v17 =	vadd.f32 v14, v17  }
0x69: {  	s24 =	simm.s32 $0x60;
	s25 =	simm.s32 $0x0;
	s23 =	simm.s32 $0x0;
	[tilespmem:s22+$0x10] =	vst v6;
	v23 =	vld.idx.msk [tilespmem:v60+s15+$0x0], $0xffff;
	v15 =	vadd.f32 v15, v7;
	v19 =	vadd.f32 v12, v11  }
.LBB2_2:
0x6a: {  	v8 =	vld [tilespmem:s24+$0x10];
	s20 =	sadd.s32 $0x40, s20  }
0x6b: {  	v27 =	vadd.f32 v10, v9;
	s25 =	sadd.s32 $0xC0, s25;
	s21 =	sadd.s32 $0x40, s21;
	v26 =	vld [tilespmem:s20+$0x10]  }
0x6c: {  	v10 =	vor.u32 s25, v0;
	v9 =	vor.u32 s25, v1;
	v6 =	vor.u32 s25, v2;
	s26 =	sadd.s32 $0x30, s25;
	s28 =	sadd.s32 $0x60, s25;
	s29 =	sadd.s32 $0x90, s25;
	v28 =	vld [tilespmem:s21+$0x10]  }
0x6d: {  	v13 =	vadd.s32 s26, v0;
	v11 =	vadd.s32 s26, v1;
	v30 =	vadd.s32 s29, v2;
	v29 =	vld [tilespmem:s20+$0xFFFFFFE0]  }
0x6e: {  	v14 =	vadd.s32 s28, v0;
	v12 =	vadd.s32 s28, v1;
	v32 =	vadd.s32 s29, v0;
	v31 =	vld [tilespmem:s21+$0xFFFFFFE0]  }
0x6f: {  	s23 =	sadd.s32 $0x40, s23;
	v7 =	vadd.s32 s26, v2;
	v35 =	vadd.s32 s29, v1;
	v33 =	vld [tilespmem:s24+$0xFFFFFFF0];
	v34 =	vmul.u32 $0x3, v8  }
0x70: {  	p0 =	slt.u32 s23, $0x26C0;
	v18 =	vmul.f32 v25, v18;
	v8 =	vadd.s32 s28, v2;
	v36 =	vld [tilespmem:s20+$0xFFFFFFF0];
	v26 =	vmul.u32 $0x3, v26  }
0x71: {  	v16 =	vmul.f32 v23, v16;
	v21 =	vmul.f32 v24, v21;
	v25 =	vld [tilespmem:s21+$0xFFFFFFF0];
	v28 =	vmul.u32 $0x3, v28  }
0x72: {  	v18 =	vadd.f32 v18, v20;
	v23 =	vmul.u32 $0x3, v29;
	v24 =	vld.idx.msk [tilespmem:v30+s15+$0x0], $0xffff  }
0x73: {  	v22 =	vadd.f32 v16, v22;
	v29 =	vadd.s32 $0x2, v34;
	v20 =	vmul.u32 $0x3, v31;
	v30 =	vld.idx.msk [tilespmem:v32+s15+$0x0], $0xffff  }
0x74: {  	v31 =	vadd.s32 $0x1, v23;
	v32 =	vmul.u32 $0x3, v33;
	v33 =	vadd.s32 $0x1, v34;
	v35 =	vld.idx.msk [tilespmem:v35+s15+$0x0], $0xffff  }
0x75: {  	v38 =	vadd.s32 $0x1, v26;
	v37 =	vadd.s32 $0x1, v20;
	v36 =	vmul.u32 $0x3, v36;
	v34 =	vld.idx.msk [tilespmem:v34+s11+$0x0], $0xffff  }
0x76: {  	v41 =	vadd.s32 $0x1, v28;
	v25 =	vmul.u32 $0x3, v25;
	v39 =	vadd.s32 $0x1, v32;
	v40 =	vld.idx.msk [tilespmem:v26+s11+$0x0], $0xffff  }
0x77: {  	v42 =	vadd.s32 $0x2, v23;
	v26 =	vadd.s32 $0x2, v26;
	v43 =	vadd.s32 $0x1, v36;
	v44 =	vld.idx.msk [tilespmem:v28+s12+$0x0], $0xffff  }
0x78: {  	v45 =	vadd.s32 $0x2, v20;
	v28 =	vadd.s32 $0x2, v28;
	v46 =	vadd.s32 $0x1, v25;
	v29 =	vld.idx.msk [tilespmem:v29+s11+$0x0], $0xffff  }
0x79: {  	v47 =	vadd.s32 $0x2, v32;
	v48 =	vadd.s32 $0x2, v36;
	v16 =	vadd.s32 $0x2, v25;
	v33 =	vld.idx.msk [tilespmem:v33+s11+$0x0], $0xffff  }
0x7a: {  	v21 =	vadd.f32 v21, v27;
	v22 =	vmul.f32 v22, v22;
	v18 =	vmul.f32 v18, v18;
	v38 =	vld.idx.msk [tilespmem:v38+s11+$0x0], $0xffff  }
0x7b: {  	v27 =	vld.idx.msk [tilespmem:v41+s12+$0x0], $0xffff  }
0x7c: {  	v17 =	vadd.f32 v22, v17;
	v18 =	vadd.f32 v18, v19;
	v19 =	vmul.f32 v21, v21;
	v26 =	vld.idx.msk [tilespmem:v26+s11+$0x0], $0xffff  }
0x7d: {  	v21 =	vld.idx.msk [tilespmem:v28+s12+$0x0], $0xffff  }
0x7e: {  	v15 =	vadd.f32 v19, v15;
	v22 =	vld [tilespmem:s24+$0x0];
	[tilespmem:s22+$0xFFFFFFE0] =	vst v18  }
0x7f: {  	v18 =	vld [tilespmem:s20+$0x0];
	[tilespmem:s22+$0xFFFFFFF0] =	vst v17  }
0x80: {  	v19 =	vadd.f32 v40, v34;
	v17 =	vld [tilespmem:s21+$0x0];
	[tilespmem:s22+$0x0] =	vst v15  }
0x81: {  	v28 =	vmul.f32 v30, v44;
	v30 =	vadd.f32 v38, v33;
	v27 =	vmul.f32 v35, v27;
	v15 =	vld [tilespmem:s24+$0xFFFFFFE0]  }
0x82: {  	v26 =	vadd.f32 v26, v29;
	v31 =	vld.idx.msk [tilespmem:v31+s11+$0x0], $0xffff  }
0x83: {  	v19 =	vadd.f32 v28, v19;
	v27 =	vadd.f32 v27, v30;
	v21 =	vmul.f32 v24, v21;
	v29 =	vld.idx.msk [tilespmem:v37+s12+$0x0], $0xffff  }
0x84: {  	v22 =	vmul.u32 $0x3, v22;
	v24 =	vld.idx.msk [tilespmem:v39+s11+$0x0], $0xffff;
	v18 =	vmul.u32 $0x3, v18  }
0x85: {  	v19 =	vmul.f32 v19, v19;
	v21 =	vadd.f32 v21, v26;
	v26 =	vmul.f32 v27, v27;
	v28 =	vld.idx.msk [tilespmem:v43+s11+$0x0], $0xffff  }
0x86: {  	v17 =	vmul.u32 $0x3, v17;
	v30 =	vadd.s32 $0x1, v22;
	v15 =	vmul.u32 $0x3, v15;
	v27 =	vld.idx.msk [tilespmem:v46+s12+$0x0], $0xffff  }
0x87: {  	v33 =	vadd.s32 $0x1, v18;
	v19 =	vadd.f32 v26, v19;
	v21 =	vmul.f32 v21, v21;
	v23 =	vld.idx.msk [tilespmem:v23+s11+$0x0], $0xffff  }
0x88: {  	v35 =	vadd.s32 $0x1, v17;
	v26 =	vadd.s32 $0x1, v15;
	v34 =	vadd.s32 $0x2, v15;
	v20 =	vld.idx.msk [tilespmem:v20+s12+$0x0], $0xffff  }
0x89: {  	v37 =	vadd.s32 $0x2, v22;
	v38 =	vadd.s32 $0x2, v18;
	v19 =	vadd.f32 v21, v19;
	v32 =	vld.idx.msk [tilespmem:v32+s11+$0x0], $0xffff  }
0x8a: {  	s22 =	sadd.s32 $0x40, s22;
	v21 =	vld.idx.msk [tilespmem:v36+s11+$0x0], $0xffff;
	v36 =	vadd.s32 $0x2, v17  }
0x8b: {  	v24 =	vadd.f32 v28, v24;
	v28 =	vld.idx.msk [tilespmem:v30+s11+$0x0], $0xffff;
	[tilespmem:s22+$0x10] =	vst v19  }
0x8c: {  	v19 =	vld.idx.msk [tilespmem:v33+s11+$0x0], $0xffff  }
0x8d: {  	v26 =	vld.idx.msk [tilespmem:v26+s11+$0x0], $0xffff  }
0x8e: {  	v30 =	vld.idx.msk [tilespmem:v35+s12+$0x0], $0xffff  }
0x8f: {  	v15 =	vld.idx.msk [tilespmem:v15+s11+$0x0], $0xffff  }
0x90: {  	v21 =	vadd.f32 v21, v32;
	v25 =	vld.idx.msk [tilespmem:v25+s12+$0x0], $0xffff  }
0x91: {  	v22 =	vld.idx.msk [tilespmem:v22+s11+$0x0], $0xffff  }
0x92: {  	v19 =	vadd.f32 v19, v28;
	v18 =	vld.idx.msk [tilespmem:v18+s11+$0x0], $0xffff  }
0x93: {  	v26 =	vadd.f32 v31, v26;
	v17 =	vld.idx.msk [tilespmem:v17+s12+$0x0], $0xffff  }
0x94: {  	v13 =	vld.idx.msk [tilespmem:v13+s15+$0x0], $0xffff  }
0x95: {  	v15 =	vadd.f32 v23, v15;
	v11 =	vld.idx.msk [tilespmem:v11+s15+$0x0], $0xffff  }
0x96: {  	v14 =	vld.idx.msk [tilespmem:v14+s15+$0x0], $0xffff  }
0x97: {  	v12 =	vld.idx.msk [tilespmem:v12+s15+$0x0], $0xffff  }
0x98: {  	v22 =	vadd.f32 v18, v22;
	v10 =	vld.idx.msk [tilespmem:v10+s15+$0x0], $0xffff  }
0x99: {  	v9 =	vld.idx.msk [tilespmem:v9+s15+$0x0], $0xffff  }
0x9a: {  	v13 =	vmul.f32 v13, v25;
	v23 =	vld.idx.msk [tilespmem:v34+s11+$0x0], $0xffff  }
0x9b: {  	v11 =	vmul.f32 v11, v27;
	v25 =	vld.idx.msk [tilespmem:v42+s11+$0x0], $0xffff  }
0x9c: {  	v13 =	vadd.f32 v13, v21;
	v14 =	vmul.f32 v14, v17;
	v18 =	vld.idx.msk [tilespmem:v45+s12+$0x0], $0xffff  }
0x9d: {  	v11 =	vadd.f32 v11, v24;
	v12 =	vmul.f32 v12, v30;
	v27 =	vld.idx.msk [tilespmem:v47+s11+$0x0], $0xffff  }
0x9e: {  	v10 =	vmul.f32 v10, v20;
	v13 =	vmul.f32 v13, v13;
	v14 =	vadd.f32 v14, v22;
	v24 =	vld.idx.msk [tilespmem:v48+s11+$0x0], $0xffff  }
0x9f: {  	v17 =	vmul.f32 v9, v29;
	v11 =	vmul.f32 v11, v11;
	v12 =	vadd.f32 v12, v19;
	v16 =	vld.idx.msk [tilespmem:v16+s12+$0x0], $0xffff  }
0xa0: {  	v15 =	vadd.f32 v10, v15;
	v14 =	vmul.f32 v14, v14;
	v9 =	vld.idx.msk [tilespmem:v37+s11+$0x0], $0xffff  }
.Ltmp0:
0xa1: {  	v19 =	vadd.f32 v17, v26;
	v20 =	vadd.f32 v25, v23;
	v12 =	vmul.f32 v12, v12;
	v10 =	vld.idx.msk [tilespmem:v38+s11+$0x0], $0xffff;
	(pc) =	sbr.rel @p0 .LBB2_2-.Ltmp0, $4  }
0xa2: {  	v17 =	vadd.f32 v11, v13;
	v26 =	vmul.f32 v15, v15;
	v21 =	vld.idx.msk [tilespmem:v36+s12+$0x0], $0xffff  }
0xa3: {  	v11 =	vmul.f32 v19, v19;
	v15 =	vadd.f32 v12, v14;
	v23 =	vld.idx.msk [tilespmem:v7+s15+$0x0], $0xffff  }
0xa4: {  	v22 =	vadd.f32 v24, v27;
	v24 =	vld.idx.msk [tilespmem:v8+s15+$0x0], $0xffff  }
0xa5: {  	s24 =	sadd.s32 $0x40, s24;
	v19 =	vadd.f32 v11, v26;
	v25 =	vld.idx.msk [tilespmem:v6+s15+$0x0], $0xffff  }
0xa6: {  	_ =	sdelay $0x3  }
0xa7: {  	v6 =	vmul.f32 v25, v18  }
0xa8: {  	v7 =	vmul.f32 v23, v16  }
0xa9: {  	v8 =	vadd.f32 v10, v9;
	v53 =	vmul.f32 v24, v21;
	v6 =	vadd.f32 v6, v20  }
0xaa: {  	v7 =	vadd.f32 v7, v22  }
0xab: {  	v8 =	vadd.f32 v53, v8;
	v6 =	vmul.f32 v6, v6  }
0xac: {  	v7 =	vmul.f32 v7, v7  }
0xad: {  	v8 =	vmul.f32 v8, v8;
	v6 =	vadd.f32 v6, v19  }
0xae: {  	v7 =	vadd.f32 v7, v17  }
0xaf: {  	[tilespmem:s22+$0xFFFFFFE0] =	vst v6;
	v6 =	vadd.f32 v8, v15  }
0xb0: {  	[tilespmem:s22+$0xFFFFFFF0] =	vst v7  }
0xb1: {  	[tilespmem:s22+$0x0] =	vst v6  }
0xb2: {  	v6 =	vld [tilespmem:$0x2700]  }
0xb3: {  	v7 =	vld [tilespmem:$0x4E80]  }
0xb4: {  	v54 =	vld [tilespmem:$0x7600];
	_ =	sdelay $0x2  }
0xb5: {  	v6 =	vmul.u32 $0x3, v6  }
0xb6: {  	v7 =	vmul.u32 $0x3, v7  }
0xb7: {  	v8 =	vmul.u32 $0x3, v54  }
0xb8: {  	v57 =	vld.idx.msk [tilespmem:v3+s15+$0x0], $0xffff  }
0xb9: {  	v58 =	vld.idx.msk [tilespmem:v4+s15+$0x0], $0xffff;
	v55 =	vadd.s32 $0x1, v6  }
0xba: {  	v59 =	vld.idx.msk [tilespmem:v5+s15+$0x0], $0xffff;
	v56 =	vadd.s32 $0x2, v6  }
0xbb: {  	v11 =	vadd.s32 $0x1, v7;
	v6 =	vld.idx.msk [tilespmem:v6+s11+$0x0], $0xffff  }
0xbc: {  	v12 =	vadd.s32 $0x2, v7;
	v13 =	vadd.s32 $0x1, v8;
	v7 =	vld.idx.msk [tilespmem:v7+s11+$0x0], $0xffff  }
0xbd: {  	v14 =	vadd.s32 $0x2, v8;
	v8 =	vld.idx.msk [tilespmem:v8+s12+$0x0], $0xffff  }
0xbe: {  	v9 =	vld.idx.msk [tilespmem:v55+s11+$0x0], $0xffff  }
0xbf: {  	v10 =	vld.idx.msk [tilespmem:v56+s11+$0x0], $0xffff  }
0xc0: {  	v11 =	vld.idx.msk [tilespmem:v11+s11+$0x0], $0xffff  }
0xc1: {  	v13 =	vld.idx.msk [tilespmem:v13+s12+$0x0], $0xffff  }
0xc2: {  	v12 =	vld.idx.msk [tilespmem:v12+s11+$0x0], $0xffff  }
0xc3: {  	v14 =	vld.idx.msk [tilespmem:v14+s12+$0x0], $0xffff;
	_ =	sdelay $0x1  }
0xc4: {  	v6 =	vadd.f32 v7, v6  }
0xc5: {  	v7 =	vmul.f32 v57, v8;
	v60 =	vadd.f32 v11, v9;
	v61 =	vmul.f32 v58, v13  }
0xc6: {  	v62 =	vadd.f32 v12, v10  }
0xc7: {  	v63 =	vmul.f32 v59, v14;
	v6 =	vadd.f32 v7, v6;
	v7 =	vadd.f32 v61, v60;
	_ =	sdelay $0x1  }
0xc8: {  	v8 =	vadd.f32 v63, v62;
	v6 =	vmul.f32 v6, v6;
	v7 =	vmul.f32 v7, v7;
	_ =	sdelay $0x1  }
0xc9: {  	v6 =	vadd.f32 v7, v6;
	v7 =	vmul.f32 v8, v8;
	_ =	sdelay $0x1  }
0xca: {  	s19 =	sadd.s32 $0x1, s19;
	v6 =	vadd.f32 v7, v6  }
0xcb: {  	p0 =	sne.s32 s19, s10  }
.Ltmp1:
0xcc: {  	[tilespmem:$0x11300] =	vst v6;
	(pc) =	sbr.rel @p0 .LBB2_1-.Ltmp1, $4  }
0xcd: {  	[hbm4b:s9+s4] =	stream.linear.scatter [tilespmem:s17], [sflag:$0x2], $0x2710, $0x38;
	[tilespmem:$0x18980] =	vst v63  }
0xce: {  	_ =	swait.ge [sflag:s18], $0x2710  }
0xcf: {  	[sflag:s18] =	ssyncset.done $0x0  }
0xd0: {  	[sflag:s18] =	ssyncadd.s32 $0xFFFFD8F0  }
0xd1: {  	_ =	sfence.sel $0x180000  }
0xd2: {  	[bflag:$0x0] =	sbarrier.arrive $0xFFFF  }
0xd3: {  	p0 =	sne.s32 s0, $0x0;
	_ =	strace $0x90000047  }
0xd4: {  	s0 =	sadd.s32 @!p0 $0x100000, s2;
	[bflag:$0x2] =	sbarrier.arrive $0xFFFF  }
0xd5: {  	[sflag:s0] =	ssyncadd.tile.s32 @!p0 $0x1;
	_ =	shalt  }
.Lfunc_end2:
_tile_overlayer_lowered:
.L_overlay_start_2:
0xd6: {  	(tag) =	ssettag $0x2  }
0xd7: {  	s0 =	rddreg [dreg:$0x0];
	s2 =	stileid.u32  }
0xd8: {  	s1 =	rddreg [dreg:$0x1];
	p0 =	sne.s32 s2, $0x0  }
0xd9: {  	s3 =	rddreg [dreg:$0x2];
	[bflag:$0x3] =	sbarrier.arrive $0xFFFF;
	s2 =	simm.s32 @!p0 $0x1C02  }
0xda: {  	[timem:s3], [sflag:s2] =	dma.local @!p0 [hbm:s0], s1  }
0xdb: {  	s0 =	simm.s32 @!p0 $0x2  }
0xdc: {  	_ =	swait.ge @!p0 [sflag:s0], s1  }
0xdd: {  	s1 =	ssub.s32 @!p0 $0x0, s1;
	[sflag:s0] =	ssyncset.done @!p0 $0x0  }
0xde: {  	[sflag:s0] =	ssyncadd.s32 @!p0 s1  }
0xdf: {  	[bflag:$0x3] =	sbarrier.arrive $0xFFFF  }
0xe0: {  	_ =	shalt  }

// kernel: kernel.8.cloned.1.call-start
scs
__scs_entry_jumppad:
0x0: {  	(pc) =	sbr.rel $0x88, $3  }
0x1: {  	(tag) =	ssettag $0x0;
	lr =	simm.s32 $0x1  }
0x2: {  	[smem:$0x3F93] =	sst lr;
	_ =	strace $0xD0000000  }
0x3: {  	_ = 	snop  }
0x4: {  	_ = 	snop  }
0x5: {  	_ = 	snop  }
0x6: {  	_ = 	snop  }
0x7: {  	_ = 	snop  }
__scs_overlays_trampoline_lowered:
0x8: {  	[smem:$0x3FA2] =	sst s0  }
0x9: {  	[smem:$0x3FA3] =	sst s1  }
0xa: {  	[smem:$0x3FA4] =	sst s2  }
0xb: {  	[smem:$0x3FA5] =	sst s3  }
0xc: {  	[smem:$0x3FA6] =	sst s4  }
0xd: {  	[smem:$0x3FA7] =	sst s5  }
0xe: {  	[smem:$0x3FA8] =	sst s6  }
0xf: {  	[smem:$0x3FA9] =	sst s7  }
0x10: {  	[smem:$0x3FAA] =	sst s8  }
0x11: {  	[smem:$0x3FAB] =	sst s9;
	s0 =	simm.s32 @!p0 $0x0  }
0x12: {  	s1 =	sld [smem:$0x3F91];
	s0 =	simm.s32 @p0 $0x1  }
0x13: {  	[smem:$0x3FAC] =	sst s0;
	s0 =	simm.s32 @!p1 $0x0  }
0x14: {  	s2 =	sld [smem:$0x3F90];
	s0 =	simm.s32 @p1 $0x1  }
0x15: {  	[smem:$0x3FAD] =	sst s0;
	s0 =	simm.s32 @!p2 $0x0  }
0x16: {  	s3 =	sld [smem:$0x3FDB];
	s0 =	simm.s32 @p2 $0x1  }
0x17: {  	s4 =	simm.s32 $0x1BF5;
	[smem:$0x3FAF] =	sst s0  }
0x18: {  	s0 =	sld [smem:$0x3F92];
	_ =	swait.ge [sflag:s4], $0x0  }
0x19: {  	s7 =	sld [smem:$0x3F93]  }
0x1a: {  	s8 =	sadd.s32 $0xFFFFE003, lr  }
0x1b: {  	s9 =	sadd.s32 $0xFFFFFEF7, lr;
	s5 =	simm.s32 $0xFFFFFFFF;
	p2 =	slt.u32 s8, $0xFFFFF086  }
0x1c: {  	p1 =	slt.u32 s9, $0xF7A;
	s5 =	simm.s32 @!p2 $0x0  }
0x1d: {  	s5 =	simm.s32 @p1 $0x1;
	p0 =	seq.s32 s7, s2  }
0x1e: {  	s7 =	smul.u32 @!p0 $0xF7A, s2;
	p2 =	seq.s32 @!p0 s5, $0x0  }
0x1f: {  	s9 =	smul.u32 $0xF7A, s1;
	s8 =	simm.s32 @!p0 $0x1BF5;
	p2 =	por !p2, p0  }
0x20: {  	[sflag:s8] =	ssyncset.s32 @!p0 $0xFFFFF086;
	s6 =	sadd.s32 @!p0 s3, s7;
	s7 =	simm.s32 @!p0 $0x108  }
0x21: {  	s3 =	sadd.s32 s3, s9;
	s6 =	sadd.s32 @!p0 $0x88, s6;
	s7 =	simm.s32 @p2 $0x1082  }
0x22: {  	[simem:s7], [sflag:s8] =	dma.local @!p0 [hbm:s6], $0xF7A  }
0x23: {  	s9 =	sor.u32 $0xD0000000, s2;
	s6 =	simm.s32 $0x108;
	_ =	swait.ge @!p0 [sflag:s8], $0x0  }
0x24: {  	s3 =	sadd.s32 $0x88, s3;
	s6 =	simm.s32 @!p1 $0x1082;
	[sflag:s4] =	ssyncset.s32 $0xFFFFF086  }
0x25: {  	[simem:s6], [sflag:s4] =	dma.local [hbm:s3], $0xF7A  }
0x26: {  	[smem:$0x3F93] =	sst s1;
	(tag) =	ssettag s2;
	_ =	strace s9  }
0x27: {  	s1 =	sld [smem:$0x3FA3]  }
0x28: {  	s2 =	sld [smem:$0x3FA4]  }
0x29: {  	s4 =	sld [smem:$0x3FA6]  }
0x2a: {  	p0 =	seq.s32 s5, $0x0;
	s5 =	sld [smem:$0x3FA7]  }
0x2b: {  	s6 =	sld [smem:$0x3FA8]  }
0x2c: {  	s7 =	sld [smem:$0x3FA9]  }
0x2d: {  	s3 =	simm.s32 $0x108;
	s8 =	sld [smem:$0x3FAA]  }
0x2e: {  	s3 =	simm.s32 @!p0 $0x1082;
	s9 =	sld [smem:$0x3FAB]  }
0x2f: {  	lr =	sadd.s32 s0, s3;
	s0 =	sld [smem:$0x3FA2]  }
0x30: {  	s3 =	sld [smem:$0x3FA5]  }
0x31: {  	[smem:$0x3FAE] =	sst s10  }
0x32: {  	s10 =	sld [smem:$0x3FAC];
	_ =	sdelay $0x3  }
0x33: {  	p0 =	seq.s32 s10, $0x1;
	s10 =	sld [smem:$0x3FAE];
	_ =	sdelay $0x3  }
0x34: {  	[smem:$0x3FAE] =	sst s10  }
0x35: {  	s10 =	sld [smem:$0x3FAD];
	_ =	sdelay $0x3  }
0x36: {  	p1 =	seq.s32 s10, $0x1;
	s10 =	sld [smem:$0x3FAE];
	_ =	sdelay $0x3  }
0x37: {  	[smem:$0x3FAE] =	sst s10  }
0x38: {  	s10 =	sld [smem:$0x3FAF]  }
0x39: {  	_ = 	snop;
	(pc) =	sbr.ind lr, $3  }
0x3a: {  	_ = 	snop  }
0x3b: {  	_ = 	snop  }
0x3c: {  	p2 =	seq.s32 s10, $0x1;
	s10 =	sld [smem:$0x3FAE]  }
0x3d: {  	_ =	shalt  }
0x3e: {  	_ =	shalt  }
0x3f: {  	_ =	shalt  }
0x40: {  	_ =	shalt  }
0x41: {  	_ =	shalt  }
0x42: {  	_ =	shalt  }
0x43: {  	_ =	shalt  }
0x44: {  	_ =	shalt  }
0x45: {  	_ =	shalt  }
0x46: {  	_ =	shalt  }
0x47: {  	_ =	shalt  }
0x48: {  	_ =	shalt  }
0x49: {  	_ =	shalt  }
0x4a: {  	_ =	shalt  }
0x4b: {  	_ =	shalt  }
0x4c: {  	_ =	shalt  }
0x4d: {  	_ =	shalt  }
0x4e: {  	_ =	shalt  }
0x4f: {  	_ =	shalt  }
0x50: {  	_ =	shalt  }
0x51: {  	_ =	shalt  }
0x52: {  	_ =	shalt  }
0x53: {  	_ =	shalt  }
0x54: {  	_ =	shalt  }
0x55: {  	_ =	shalt  }
0x56: {  	_ =	shalt  }
0x57: {  	_ =	shalt  }
0x58: {  	_ =	shalt  }
0x59: {  	_ =	shalt  }
0x5a: {  	_ =	shalt  }
0x5b: {  	_ =	shalt  }
0x5c: {  	_ =	shalt  }
0x5d: {  	_ =	shalt  }
0x5e: {  	_ =	shalt  }
0x5f: {  	_ =	shalt  }
0x60: {  	_ =	shalt  }
0x61: {  	_ =	shalt  }
0x62: {  	_ =	shalt  }
0x63: {  	_ =	shalt  }
0x64: {  	_ =	shalt  }
0x65: {  	_ =	shalt  }
0x66: {  	_ =	shalt  }
0x67: {  	_ =	shalt  }
0x68: {  	_ =	shalt  }
0x69: {  	_ =	shalt  }
0x6a: {  	_ =	shalt  }
0x6b: {  	_ =	shalt  }
0x6c: {  	_ =	shalt  }
0x6d: {  	_ =	shalt  }
0x6e: {  	_ =	shalt  }
0x6f: {  	_ =	shalt  }
0x70: {  	_ =	shalt  }
0x71: {  	_ =	shalt  }
0x72: {  	_ =	shalt  }
0x73: {  	_ =	shalt  }
0x74: {  	_ =	shalt  }
0x75: {  	_ =	shalt  }
0x76: {  	_ =	shalt  }
0x77: {  	_ =	shalt  }
0x78: {  	_ =	shalt  }
0x79: {  	_ =	shalt  }
0x7a: {  	_ =	shalt  }
0x7b: {  	_ =	shalt  }
0x7c: {  	_ =	shalt  }
0x7d: {  	_ =	shalt  }
0x7e: {  	_ =	shalt  }
0x7f: {  	_ =	shalt  }
0x80: {  	_ =	shalt  }
0x81: {  	_ =	shalt  }
0x82: {  	_ =	shalt  }
0x83: {  	_ =	shalt  }
0x84: {  	_ =	shalt  }
0x85: {  	_ =	shalt  }
0x86: {  	_ =	shalt  }
0x87: {  	_ =	shalt  }
.Lfunc_end0:
.L_simem_size_0:
called_computation.1_lowered:
.L_overlay_start_0:
0x88: {  	s2 =	sld [smem:$0x3FD9]  }
0x89: {  	s3 =	sld [smem:$0x3FFE];
	_ =	sdelay $0x1  }
0x8a: {  	s1 =	srdreg.scid  }
0x8b: {  	s0 =	sand.u32 $0x1, s1  }
0x8c: {  	s16 =	sshll.u32 s0, $0xA;
	s2 =	sadd.s32 s3, s2  }
0x8d: {  	s2 =	sadd.s32 s2, s16  }
0x8e: {  	[smem:$0x3FBA] =	sst s2  }
0x8f: {  	_ = 	snop  }
0x90: {  	s4 =	sld [smem:$0x3FD0];
	_ =	sdelay $0x1  }
0x91: {  	s2 =	sld [smem:$0x3FC4]  }
0x92: {  	s5 =	simm.s32 $0xB;
	s6 =	simm.s32 $0x10;
	s17 =	sld [smem:$0x3FBF]  }
0x93: {  	[smem:s6], [sflag:s5] =	dma.local [hbm:s4], $0x1  }
0x94: {  	_ =	swait.eq [sflag:s5], $0x1  }
0x95: {  	[sflag:s5] =	ssyncset.done $0x0  }
0x96: {  	[sflag:s5] =	ssyncadd.s32 $0xFFFFFFFF  }
0x97: {  	s18 =	sld [smem:$0x10];
	(tm) =	ssettm $0x1  }
0x98: {  	s19 =	sld [smem:$0x3FFB];
	_ =	sdelay $0x3  }
0x99: {  	_ =	strace s19  }
0x9a: {  	s4 =	sld [smem:$0x3FFC];
	_ =	sdelay $0x3  }
0x9b: {  	_ =	strace s4  }
0x9c: {  	s4 =	sld [smem:$0x3FFD];
	_ =	sdelay $0x3  }
0x9d: {  	_ =	strace s4  }
0x9e: {  	_ =	strace $0x8FFFFFFF  }
0x9f: {  	s20 =	sld [smem:$0x3FDB];
	_ =	sdelay $0x1  }
0xa0: {  	s21 =	simm.s32 $_scs_section_size  }
0xa1: {  	s7 =	simm.s32 $_size__tile_overlayer_lowered;
	s8 =	simm.s32 $_tile_overlayer_lowered  }
0xa2: {  	s9 =	simm.s32 $0x1BFF;
	s22 =	sshll.u32 s8, $0x1;
	s6 =	sadd.s32 s21, s20  }
0xa3: {  	s23 =	simm.s32 $0x0;
	s7 =	sshll.u32 s7, $0x1;
	s8 =	sadd.s32 s22, s6  }
0xa4: {  	[timem:s23], [sflag:s9] =	dma.local [hbm:s8], s7  }
0xa5: {  	_ =	swait.ge [sflag:s9], s7  }
0xa6: {  	s7 =	ssub.s32 $0x0, s7;
	[sflag:s9] =	ssyncset.done $0x0  }
0xa7: {  	[sflag:s9] =	ssyncadd.s32 s7;
	_ =	sdelay $0x1  }
0xa8: {  	s24 =	simm.s32 $0x1B8B  }
0xa9: {  	_ =	swait.ge [sflag:s24], $0x1  }
0xaa: {  	[sflag:s24] =	ssyncset.done $0x0  }
0xab: {  	[sflag:s24] =	ssyncadd.s32 $0xFFFFFFFF  }
0xac: {  	s7 =	sld [smem:$0x0]  }
0xad: {  	s8 =	sand.u32 $0xFFFFFFFE, s1  }
0xae: {  	p0 =	sne.s32 s1, s8  }
0xaf: {  	s8 =	sshll.u32 @p0 s8, $0xE  }
0xb0: {  	s8 =	sadd.s32 @p0 $0x11B8D, s8;
	s9 =	sshll.u32 @p0 s7, $0x11  }
0xb1: {  	s8 =	sor.u32 @p0 s9, s8  }
0xb2: {  	[sflag:s8] =	ssyncadd.remote.s32 @p0 $0x1;
	_ =	sdelay $0x1  }
0xb3: {  	s8 =	simm.s32 @p0 $0x1B8D  }
0xb4: {  	_ =	swait.eq @p0 [sflag:s8], $0x1  }
0xb5: {  	[sflag:s8] =	ssyncadd.s32 @p0 $0xFFFFFFFF  }
0xb6: {  	s9 =	sshll.u32 @!p0 s1, $0xE  }
0xb7: {  	s9 =	sor.u32 @!p0 $0x4000, s9;
	s8 =	simm.s32 @!p0 $0x1B8D  }
0xb8: {  	s7 =	sshll.u32 @!p0 s7, $0x11;
	s9 =	sadd.s32 @!p0 $0x11B8D, s9;
	_ =	swait.eq @!p0 [sflag:s8], $0x1  }
0xb9: {  	s7 =	sor.u32 @!p0 s7, s9;
	[sflag:s8] =	ssyncadd.s32 @!p0 $0xFFFFFFFF  }
0xba: {  	s25 =	simm.s32 $0x1B8E;
	[sflag:s7] =	ssyncadd.remote.s32 @!p0 $0x1  }
0xbb: {  	s26 =	simm.s32 $execute0_lowered;
	[smem:$0x3FD2] =	sst s25  }
0xbc: {  	s7 =	sshll.u32 s26, $0x1;
	_ =	strace $0x80000049;
	[dreg:$0x1] =	wrdreg $0xFFFFFFFF  }
0xbd: {  	s28 =	simm.s32 $_size_execute0_lowered;
	s6 =	sadd.s32 s6, s7;
	[dreg:$0x0] =	wrdreg $0x0  }
0xbe: {  	s7 =	sshll.u32 s28, $0x1;
	[dreg:$0x2] =	wrdreg s6  }
0xbf: {  	[dreg:$0x3] =	wrdreg s7  }
0xc0: {  	[dreg:$0x4] =	wrdreg $0xC0  }
0xc1: {  	_ =	task [dreg:s23], $0x5FFFF  }
0xc2: {  	[dreg:$0x1] =	wrdreg $0xFFFFFFFF  }
0xc3: {  	[dreg:$0x0] =	wrdreg $0x60  }
0xc4: {  	[dreg:$0x2] =	wrdreg s2  }
0xc5: {  	[dreg:$0x3] =	wrdreg s17  }
0xc6: {  	[dreg:$0x4] =	wrdreg s18  }
0xc7: {  	[dreg:$0x5] =	wrdreg $0xA  }
0xc8: {  	_ =	task.clear_ibuf [dreg:s23], $0x6FFFF;
	_ =	strace $0x90000049  }
0xc9: {  	s29 =	simm.s32 $0xA;
	_ =	strace $0x8000004B  }
0xca: {  	_ =	swait.ge [sflag:s29], $0x1  }
0xcb: {  	[sflag:s29] =	ssyncadd.s32 $0xFFFFFFFF  }
0xcc: {  	_ =	strace $0x9000004B  }
0xcd: {  	_ =	sfence  }
0xce: {  	s30 =	sld [smem:$0x0];
	_ =	sdelay $0x2  }
0xcf: {  	s31 =	sshll.u32 s1, $0xD;
	s1 =	sshrl.u32 s1, $0x2  }
0xd0: {  	s3 =	sand.u32 $0x4000, s31;
	s1 =	sadd.s32 s1, s30  }
0xd1: {  	s0 =	sor.u32 s3, s0;
	s1 =	sshll.u32 s1, $0x11  }
0xd2: {  	s0 =	sor.u32 s1, s0  }
0xd3: {  	s0 =	sadd.s32 $0x8F2B, s0  }
0xd4: {  	[sflag:s0] =	ssyncadd.remote.s32 $0x1  }
0xd5: {  	_ =	sfence.sel $0xFFFF  }
0xd6: {  	[dreg:$0x0] =	wrdreg $0xFFFFFFFF;
	(pc) =	sbr.abs _section_cstart, $3  }
0xd7: {  	[dreg:$0x1] =	wrdreg $0xFFFFFFFF  }
0xd8: {  	_ =	task.clear_ibuf [dreg:s23], $0x2FFFF;
	_ =	strace $0x9FFFFFFF  }
0xd9: {  	(tm) =	ssettm $0x7FFFFFFF  }
tec
execute0_lowered:
.L_overlay_start_1:
0x0: {  	(tag) =	ssettag $0x1  }
0x1: {  	s0 =	srdreg.scid;
	s1 =	stileid.u32  }
0x2: {  	s0 =	sand.u32 $0x1, s0;
	s1 =	sshll.u32 s1, $0x1  }
0x3: {  	s18 =	sor.u32 s0, s1;
	s2 =	ssub.s32 $0x2, s0  }
0x4: {  	s0 =	rddreg [dreg:$0x0];
	s1 =	simm.s32 $0x0;
	s7 =	smul.u32 $0x140, s18  }
0x5: {  	s3 =	sshrl.u32 s2, $0x1;
	[smem:$0x7FF] =	sst s1;
	p0 =	seq.s32 s18, $0x1F  }
0x6: {  	s19 =	ssub.s32 s2, s3;
	s24 =	sor.u32 $0x10, s7;
	s20 =	sshrl.u32 s7, $0x3  }
0x7: {  	s9 =	sor.u32 $0x20, s7;
	s25 =	sor.u32 $0x30, s7;
	s11 =	sadd.s32 $0x40, s7  }
0x8: {  	s26 =	sadd.s32 $0x50, s7;
	s29 =	sadd.s32 $0x60, s7;
	s30 =	sadd.s32 $0x70, s7  }
0x9: {  	s31 =	sadd.s32 $0x80, s7;
	s28 =	sadd.s32 $0xD0, s7;
	s21 =	sshrl.u32 s24, $0x3  }
0xa: {  	s2 =	sadd.s32 s0, s20;
	s4 =	sshrl.u32 s9, $0x3;
	s5 =	sshrl.u32 s25, $0x3  }
0xb: {  	s6 =	sshrl.u32 s11, $0x3;
	s13 =	sshrl.u32 s26, $0x3;
	s15 =	sshrl.u32 s29, $0x3  }
0xc: {  	s17 =	sshrl.u32 s30, $0x3;
	s10 =	sshrl.u32 s31, $0x3;
	s24 =	sshll.u32 s24, $0x4  }
0xd: {  	s9 =	sshll.u32 s9, $0x4;
	s25 =	sshll.u32 s25, $0x4;
	s3 =	sadd.s32 s0, s21  }
0xe: {  	s4 =	sadd.s32 s0, s4;
	s5 =	sadd.s32 s0, s5;
	s8 =	sadd.s32 s0, s13  }
0xf: {  	s6 =	sadd.s32 s0, s6;
	s22 =	sadd.s32 s0, s15;
	[dreg:$0x4] =	wrdreg s8  }
0x10: {  	s23 =	sadd.s32 s0, s17;
	s10 =	sadd.s32 s0, s10;
	[dreg:$0x5] =	wrdreg s22  }
0x11: {  	s15 =	sadd.s32 $0xA0, s7;
	s21 =	sadd.s32 $0xB0, s7;
	[dreg:$0x6] =	wrdreg s23  }
0x12: {  	s8 =	sadd.s32 $0x90, s7;
	[dreg:$0x7] =	wrdreg s10;
	s22 =	sshrl.u32 s15, $0x3  }
0x13: {  	s14 =	sshrl.u32 s21, $0x3;
	s10 =	sadd.s32 $0xE0, s7;
	s13 =	sadd.s32 s0, s22  }
0x14: {  	s23 =	sshrl.u32 s28, $0x3;
	s16 =	sadd.s32 s0, s14;
	[dreg:$0x9] =	wrdreg s13  }
0x15: {  	s20 =	sshrl.u32 s8, $0x3;
	s23 =	sadd.s32 s0, s23;
	[dreg:$0xa] =	wrdreg s16  }
0x16: {  	s12 =	sadd.s32 s0, s20;
	s20 =	sadd.s32 $0xC0, s7;
	[dreg:$0xc] =	wrdreg s23  }
0x17: {  	s13 =	sshrl.u32 s10, $0x3;
	[dreg:$0x8] =	wrdreg s12;
	s17 =	sshrl.u32 s20, $0x3  }
0x18: {  	s14 =	sadd.s32 s0, s13;
	s13 =	sadd.s32 $0x100, s7;
	s12 =	sadd.s32 s0, s17  }
0x19: {  	[dreg:$0xd] =	wrdreg s14;
	s14 =	sadd.s32 $0x110, s7;
	s17 =	sshrl.u32 s13, $0x3  }
0x1a: {  	s13 =	sshll.u32 s13, $0x4;
	[dreg:$0xb] =	wrdreg s12;
	s12 =	sadd.s32 $0xF0, s7  }
0x1b: {  	s23 =	sadd.s32 s0, s17;
	s17 =	sshrl.u32 s14, $0x3;
	s16 =	sshrl.u32 s12, $0x3  }
0x1c: {  	[dreg:$0xf] =	wrdreg s23;
	s23 =	sadd.s32 s0, s17;
	s16 =	sadd.s32 s0, s16  }
0x1d: {  	s17 =	sadd.s32 $0x130, s7;
	[dreg:$0xe] =	wrdreg s16;
	s16 =	sadd.s32 $0x120, s7  }
0x1e: {  	[dreg:$0x10] =	wrdreg s23;
	s23 =	sshrl.u32 s17, $0x3;
	s22 =	sshrl.u32 s16, $0x3  }
0x1f: {  	s14 =	sshll.u32 s14, $0x4;
	s22 =	sadd.s32 s0, s22;
	s0 =	sadd.s32 s0, s23  }
0x20: {  	s12 =	sshll.u32 s12, $0x4;
	s7 =	smul.u32 $0x1400, s18;
	[dreg:$0x12] =	wrdreg s0  }
0x21: {  	s17 =	sshll.u32 s17, $0x4;
	s18 =	smax.u32 s19, $0x1;
	s0 =	rddreg [dreg:$0x2]  }
0x22: {  	s19 =	simm.s32 $0x2;
	[dreg:$0x11] =	wrdreg s22;
	s22 =	sadd.s32 s0, s7  }
0x23: {  	s23 =	sadd.s32 s0, s24;
	s24 =	sadd.s32 s0, s9;
	s25 =	sadd.s32 s0, s25  }
0x24: {  	s9 =	sshll.u32 s11, $0x4;
	s11 =	sshll.u32 s26, $0x4;
	s12 =	sadd.s32 s0, s12  }
0x25: {  	s13 =	sadd.s32 s0, s13;
	s14 =	sadd.s32 s0, s14;
	s17 =	sadd.s32 s0, s17  }
0x26: {  	s26 =	sadd.s32 s0, s9;
	s9 =	sadd.s32 s0, s11;
	s11 =	sshll.u32 s29, $0x4  }
0x27: {  	[dreg:$0x13] =	wrdreg s9;
	s7 =	sadd.s32 s0, s11;
	s9 =	sshll.u32 s30, $0x4  }
0x28: {  	s11 =	sshll.u32 s31, $0x4;
	[dreg:$0x14] =	wrdreg s7;
	s30 =	sadd.s32 s0, s9  }
0x29: {  	s31 =	sadd.s32 s0, s11;
	s11 =	sshll.u32 s8, $0x4;
	s8 =	sshll.u32 s15, $0x4  }
0x2a: {  	s9 =	sshll.u32 s21, $0x4;
	s15 =	sshll.u32 s28, $0x4;
	s21 =	sshll.u32 s16, $0x4  }
.Ltmp0:
0x2b: {  	s16 =	rddreg [dreg:$0x1];
	s28 =	simm.s32 $0x1;
	(pc) =	sbr.rel .LBB2_1-.Ltmp0, $4  }
0x2c: {  	s29 =	sadd.s32 s0, s11;
	s7 =	sadd.s32 s0, s8;
	s8 =	sadd.s32 s0, s9  }
0x2d: {  	s11 =	sshll.u32 s20, $0x4;
	s20 =	sshll.u32 s10, $0x4;
	s10 =	sadd.s32 s0, s15  }
0x2e: {  	s15 =	sadd.s32 s0, s21;
	_ =	strace $0x8000004A;
	s21 =	simm.s32 $0x80  }
0x2f: {  	s9 =	sadd.s32 s0, s11;
	s11 =	sadd.s32 s0, s20;
	s20 =	simm.s32 $0x10  }
.LBB2_3:
0x30: {  	s18 =	sadd.s32 $0xFFFFFFFF, s18  }
0x31: {  	p1 =	sne.s32 s18, $0x0  }
.Ltmp1:
0x32: {  	_ = 	snop;
	(pc) =	sbr.rel @!p1 .LBB2_4-.Ltmp1, $1  }
0x33: {  	_ =	sdelay $0x3  }
.LBB2_1:
0x34: {  	[tilespmem:s1], [sflag:$0x2] =	stream.linear.gather [hbm4b:s2+s1], $0x10, $0x38;
	[tilespmem:$0x880] =	vst v63  }
0x35: {  	_ =	swait.ge [sflag:s19], $0x10  }
0x36: {  	[sflag:s19] =	ssyncset.done $0x0  }
0x37: {  	[sflag:s19] =	ssyncadd.s32 $0xFFFFFFF0  }
0x38: {  	[tilespmem:s21], [sflag:$0x1] =	stream.indirect.gather [hbm4b:s16+s20], $0x80, s1, s20, $0xb8;
	[tilespmem:$0x880] =	vst v63  }
0x39: {  	_ =	swait.ge [sflag:s28], $0x800  }
0x3a: {  	[sflag:s28] =	ssyncset.done $0x0  }
0x3b: {  	[sflag:s28] =	ssyncadd.s32 $0xFFFFF800  }
0x3c: {  	[hbm4b:s22+s1] =	stream.linear.scatter [tilespmem:s21], [sflag:$0x2], $0x800, $0x38;
	[tilespmem:$0x880] =	vst v63  }
0x3d: {  	_ =	swait.ge [sflag:s19], $0x800  }
0x3e: {  	[sflag:s19] =	ssyncset.done $0x0  }
0x3f: {  	[sflag:s19] =	ssyncadd.s32 $0xFFFFF800  }
0x40: {  	[tilespmem:s1], [sflag:$0x2] =	stream.linear.gather [hbm4b:s3+s1], $0x10, $0x38;
	[tilespmem:$0x880] =	vst v63  }
0x41: {  	_ =	swait.ge [sflag:s19], $0x10  }
0x42: {  	[sflag:s19] =	ssyncset.done $0x0  }
0x43: {  	[sflag:s19] =	ssyncadd.s32 $0xFFFFFFF0  }
0x44: {  	[tilespmem:s21], [sflag:$0x1] =	stream.indirect.gather [hbm4b:s16+s20], $0x80, s1, s20, $0xb8;
	[tilespmem:$0x880] =	vst v63  }
0x45: {  	_ =	swait.ge [sflag:s28], $0x800  }
0x46: {  	[sflag:s28] =	ssyncset.done $0x0  }
0x47: {  	[sflag:s28] =	ssyncadd.s32 $0xFFFFF800  }
0x48: {  	[hbm4b:s23+s1] =	stream.linear.scatter [tilespmem:s21], [sflag:$0x2], $0x800, $0x38;
	[tilespmem:$0x880] =	vst v63  }
0x49: {  	_ =	swait.ge [sflag:s19], $0x800  }
0x4a: {  	[sflag:s19] =	ssyncset.done $0x0  }
0x4b: {  	[sflag:s19] =	ssyncadd.s32 $0xFFFFF800  }
0x4c: {  	[tilespmem:s1], [sflag:$0x2] =	stream.linear.gather [hbm4b:s4+s1], $0x10, $0x38;
	[tilespmem:$0x880] =	vst v63  }
0x4d: {  	_ =	swait.ge [sflag:s19], $0x10  }
0x4e: {  	[sflag:s19] =	ssyncset.done $0x0  }
0x4f: {  	[sflag:s19] =	ssyncadd.s32 $0xFFFFFFF0  }
0x50: {  	[tilespmem:s21], [sflag:$0x1] =	stream.indirect.gather [hbm4b:s16+s20], $0x80, s1, s20, $0xb8;
	[tilespmem:$0x880] =	vst v63  }
0x51: {  	_ =	swait.ge [sflag:s28], $0x800  }
0x52: {  	[sflag:s28] =	ssyncset.done $0x0  }
0x53: {  	[sflag:s28] =	ssyncadd.s32 $0xFFFFF800  }
0x54: {  	[hbm4b:s24+s1] =	stream.linear.scatter [tilespmem:s21], [sflag:$0x2], $0x800, $0x38;
	[tilespmem:$0x880] =	vst v63  }
0x55: {  	_ =	swait.ge [sflag:s19], $0x800  }
0x56: {  	[sflag:s19] =	ssyncset.done $0x0  }
0x57: {  	[sflag:s19] =	ssyncadd.s32 $0xFFFFF800  }
0x58: {  	[tilespmem:s1], [sflag:$0x2] =	stream.linear.gather [hbm4b:s5+s1], $0x10, $0x38;
	[tilespmem:$0x880] =	vst v63  }
0x59: {  	_ =	swait.ge [sflag:s19], $0x10  }
0x5a: {  	[sflag:s19] =	ssyncset.done $0x0  }
0x5b: {  	[sflag:s19] =	ssyncadd.s32 $0xFFFFFFF0  }
0x5c: {  	[tilespmem:s21], [sflag:$0x1] =	stream.indirect.gather [hbm4b:s16+s20], $0x80, s1, s20, $0xb8;
	[tilespmem:$0x880] =	vst v63  }
0x5d: {  	_ =	swait.ge [sflag:s28], $0x800  }
0x5e: {  	[sflag:s28] =	ssyncset.done $0x0  }
0x5f: {  	[sflag:s28] =	ssyncadd.s32 $0xFFFFF800  }
0x60: {  	[hbm4b:s25+s1] =	stream.linear.scatter [tilespmem:s21], [sflag:$0x2], $0x800, $0x38;
	[tilespmem:$0x880] =	vst v63  }
0x61: {  	_ =	swait.ge [sflag:s19], $0x800  }
0x62: {  	[sflag:s19] =	ssyncset.done $0x0  }
0x63: {  	[sflag:s19] =	ssyncadd.s32 $0xFFFFF800  }
0x64: {  	[tilespmem:s1], [sflag:$0x2] =	stream.linear.gather [hbm4b:s6+s1], $0x10, $0x38;
	[tilespmem:$0x880] =	vst v63  }
0x65: {  	_ =	swait.ge [sflag:s19], $0x10  }
0x66: {  	[sflag:s19] =	ssyncset.done $0x0  }
0x67: {  	[sflag:s19] =	ssyncadd.s32 $0xFFFFFFF0  }
0x68: {  	[tilespmem:s21], [sflag:$0x1] =	stream.indirect.gather [hbm4b:s16+s20], $0x80, s1, s20, $0xb8;
	[tilespmem:$0x880] =	vst v63  }
0x69: {  	_ =	swait.ge [sflag:s28], $0x800  }
0x6a: {  	[sflag:s28] =	ssyncset.done $0x0  }
.Ltmp2:
0x6b: {  	[sflag:s28] =	ssyncadd.s32 $0xFFFFF800;
	(pc) =	sbr.rel @p0 .LBB2_3-.Ltmp2, $4  }
0x6c: {  	[hbm4b:s26+s1] =	stream.linear.scatter [tilespmem:s21], [sflag:$0x2], $0x800, $0x38;
	[tilespmem:$0x880] =	vst v63  }
0x6d: {  	_ =	swait.ge [sflag:s19], $0x800  }
0x6e: {  	[sflag:s19] =	ssyncset.done $0x0  }
0x6f: {  	[sflag:s19] =	ssyncadd.s32 $0xFFFFF800  }
0x70: {  	s0 =	rddreg [dreg:$0x4]  }
0x71: {  	[tilespmem:s1], [sflag:$0x2] =	stream.linear.gather [hbm4b:s0+s1], $0x10, $0x38;
	[tilespmem:$0x880] =	vst v63  }
0x72: {  	_ =	swait.ge [sflag:s19], $0x10  }
0x73: {  	[sflag:s19] =	ssyncset.done $0x0  }
0x74: {  	[sflag:s19] =	ssyncadd.s32 $0xFFFFFFF0  }
0x75: {  	[tilespmem:s21], [sflag:$0x1] =	stream.indirect.gather [hbm4b:s16+s20], $0x80, s1, s20, $0xb8;
	[tilespmem:$0x880] =	vst v63  }
0x76: {  	_ =	swait.ge [sflag:s28], $0x800  }
0x77: {  	[sflag:s28] =	ssyncset.done $0x0  }
0x78: {  	s0 =	rddreg [dreg:$0x13];
	[sflag:s28] =	ssyncadd.s32 $0xFFFFF800  }
0x79: {  	[hbm4b:s0+s1] =	stream.linear.scatter [tilespmem:s21], [sflag:$0x2], $0x800, $0x38;
	[tilespmem:$0x880] =	vst v63  }
0x7a: {  	_ =	swait.ge [sflag:s19], $0x800  }
0x7b: {  	[sflag:s19] =	ssyncset.done $0x0  }
0x7c: {  	s0 =	rddreg [dreg:$0x5];
	[sflag:s19] =	ssyncadd.s32 $0xFFFFF800  }
0x7d: {  	[tilespmem:s1], [sflag:$0x2] =	stream.linear.gather [hbm4b:s0+s1], $0x10, $0x38;
	[tilespmem:$0x880] =	vst v63  }
0x7e: {  	_ =	swait.ge [sflag:s19], $0x10  }
0x7f: {  	[sflag:s19] =	ssyncset.done $0x0  }
0x80: {  	[sflag:s19] =	ssyncadd.s32 $0xFFFFFFF0  }
0x81: {  	[tilespmem:s21], [sflag:$0x1] =	stream.indirect.gather [hbm4b:s16+s20], $0x80, s1, s20, $0xb8;
	[tilespmem:$0x880] =	vst v63  }
0x82: {  	_ =	swait.ge [sflag:s28], $0x800  }
0x83: {  	[sflag:s28] =	ssyncset.done $0x0  }
0x84: {  	s0 =	rddreg [dreg:$0x14];
	[sflag:s28] =	ssyncadd.s32 $0xFFFFF800  }
0x85: {  	[hbm4b:s0+s1] =	stream.linear.scatter [tilespmem:s21], [sflag:$0x2], $0x800, $0x38;
	[tilespmem:$0x880] =	vst v63  }
0x86: {  	_ =	swait.ge [sflag:s19], $0x800  }
0x87: {  	[sflag:s19] =	ssyncset.done $0x0  }
0x88: {  	s0 =	rddreg [dreg:$0x6];
	[sflag:s19] =	ssyncadd.s32 $0xFFFFF800  }
0x89: {  	[tilespmem:s1], [sflag:$0x2] =	stream.linear.gather [hbm4b:s0+s1], $0x10, $0x38;
	[tilespmem:$0x880] =	vst v63  }
0x8a: {  	_ =	swait.ge [sflag:s19], $0x10  }
0x8b: {  	[sflag:s19] =	ssyncset.done $0x0  }
0x8c: {  	[sflag:s19] =	ssyncadd.s32 $0xFFFFFFF0  }
0x8d: {  	[tilespmem:s21], [sflag:$0x1] =	stream.indirect.gather [hbm4b:s16+s20], $0x80, s1, s20, $0xb8;
	[tilespmem:$0x880] =	vst v63  }
0x8e: {  	_ =	swait.ge [sflag:s28], $0x800  }
0x8f: {  	[sflag:s28] =	ssyncset.done $0x0  }
0x90: {  	[sflag:s28] =	ssyncadd.s32 $0xFFFFF800  }
0x91: {  	[hbm4b:s30+s1] =	stream.linear.scatter [tilespmem:s21], [sflag:$0x2], $0x800, $0x38;
	[tilespmem:$0x880] =	vst v63  }
0x92: {  	_ =	swait.ge [sflag:s19], $0x800  }
0x93: {  	[sflag:s19] =	ssyncset.done $0x0  }
0x94: {  	s0 =	rddreg [dreg:$0x7];
	[sflag:s19] =	ssyncadd.s32 $0xFFFFF800  }
0x95: {  	[tilespmem:s1], [sflag:$0x2] =	stream.linear.gather [hbm4b:s0+s1], $0x10, $0x38;
	[tilespmem:$0x880] =	vst v63  }
0x96: {  	_ =	swait.ge [sflag:s19], $0x10  }
0x97: {  	[sflag:s19] =	ssyncset.done $0x0  }
0x98: {  	[sflag:s19] =	ssyncadd.s32 $0xFFFFFFF0  }
0x99: {  	[tilespmem:s21], [sflag:$0x1] =	stream.indirect.gather [hbm4b:s16+s20], $0x80, s1, s20, $0xb8;
	[tilespmem:$0x880] =	vst v63  }
0x9a: {  	_ =	swait.ge [sflag:s28], $0x800  }
0x9b: {  	[sflag:s28] =	ssyncset.done $0x0  }
0x9c: {  	[sflag:s28] =	ssyncadd.s32 $0xFFFFF800  }
0x9d: {  	[hbm4b:s31+s1] =	stream.linear.scatter [tilespmem:s21], [sflag:$0x2], $0x800, $0x38;
	[tilespmem:$0x880] =	vst v63  }
0x9e: {  	_ =	swait.ge [sflag:s19], $0x800  }
0x9f: {  	[sflag:s19] =	ssyncset.done $0x0  }
0xa0: {  	s0 =	rddreg [dreg:$0x8];
	[sflag:s19] =	ssyncadd.s32 $0xFFFFF800  }
0xa1: {  	[tilespmem:s1], [sflag:$0x2] =	stream.linear.gather [hbm4b:s0+s1], $0x10, $0x38;
	[tilespmem:$0x880] =	vst v63  }
0xa2: {  	_ =	swait.ge [sflag:s19], $0x10  }
0xa3: {  	[sflag:s19] =	ssyncset.done $0x0  }
0xa4: {  	[sflag:s19] =	ssyncadd.s32 $0xFFFFFFF0  }
0xa5: {  	[tilespmem:s21], [sflag:$0x1] =	stream.indirect.gather [hbm4b:s16+s20], $0x80, s1, s20, $0xb8;
	[tilespmem:$0x880] =	vst v63  }
0xa6: {  	_ =	swait.ge [sflag:s28], $0x800  }
0xa7: {  	[sflag:s28] =	ssyncset.done $0x0  }
0xa8: {  	[sflag:s28] =	ssyncadd.s32 $0xFFFFF800  }
0xa9: {  	[hbm4b:s29+s1] =	stream.linear.scatter [tilespmem:s21], [sflag:$0x2], $0x800, $0x38;
	[tilespmem:$0x880] =	vst v63  }
0xaa: {  	_ =	swait.ge [sflag:s19], $0x800  }
0xab: {  	[sflag:s19] =	ssyncset.done $0x0  }
0xac: {  	s0 =	rddreg [dreg:$0x9];
	[sflag:s19] =	ssyncadd.s32 $0xFFFFF800  }
0xad: {  	[tilespmem:s1], [sflag:$0x2] =	stream.linear.gather [hbm4b:s0+s1], $0x10, $0x38;
	[tilespmem:$0x880] =	vst v63  }
0xae: {  	_ =	swait.ge [sflag:s19], $0x10  }
0xaf: {  	[sflag:s19] =	ssyncset.done $0x0  }
0xb0: {  	[sflag:s19] =	ssyncadd.s32 $0xFFFFFFF0  }
0xb1: {  	[tilespmem:s21], [sflag:$0x1] =	stream.indirect.gather [hbm4b:s16+s20], $0x80, s1, s20, $0xb8;
	[tilespmem:$0x880] =	vst v63  }
0xb2: {  	_ =	swait.ge [sflag:s28], $0x800  }
0xb3: {  	[sflag:s28] =	ssyncset.done $0x0  }
0xb4: {  	[sflag:s28] =	ssyncadd.s32 $0xFFFFF800  }
0xb5: {  	[hbm4b:s7+s1] =	stream.linear.scatter [tilespmem:s21], [sflag:$0x2], $0x800, $0x38;
	[tilespmem:$0x880] =	vst v63  }
0xb6: {  	_ =	swait.ge [sflag:s19], $0x800  }
0xb7: {  	[sflag:s19] =	ssyncset.done $0x0  }
0xb8: {  	s0 =	rddreg [dreg:$0xa];
	[sflag:s19] =	ssyncadd.s32 $0xFFFFF800  }
0xb9: {  	[tilespmem:s1], [sflag:$0x2] =	stream.linear.gather [hbm4b:s0+s1], $0x10, $0x38;
	[tilespmem:$0x880] =	vst v63  }
0xba: {  	_ =	swait.ge [sflag:s19], $0x10  }
0xbb: {  	[sflag:s19] =	ssyncset.done $0x0  }
0xbc: {  	[sflag:s19] =	ssyncadd.s32 $0xFFFFFFF0  }
0xbd: {  	[tilespmem:s21], [sflag:$0x1] =	stream.indirect.gather [hbm4b:s16+s20], $0x80, s1, s20, $0xb8;
	[tilespmem:$0x880] =	vst v63  }
0xbe: {  	_ =	swait.ge [sflag:s28], $0x800  }
0xbf: {  	[sflag:s28] =	ssyncset.done $0x0  }
0xc0: {  	[sflag:s28] =	ssyncadd.s32 $0xFFFFF800  }
0xc1: {  	[hbm4b:s8+s1] =	stream.linear.scatter [tilespmem:s21], [sflag:$0x2], $0x800, $0x38;
	[tilespmem:$0x880] =	vst v63  }
0xc2: {  	_ =	swait.ge [sflag:s19], $0x800  }
0xc3: {  	[sflag:s19] =	ssyncset.done $0x0  }
0xc4: {  	s0 =	rddreg [dreg:$0xb];
	[sflag:s19] =	ssyncadd.s32 $0xFFFFF800  }
0xc5: {  	[tilespmem:s1], [sflag:$0x2] =	stream.linear.gather [hbm4b:s0+s1], $0x10, $0x38;
	[tilespmem:$0x880] =	vst v63  }
0xc6: {  	_ =	swait.ge [sflag:s19], $0x10  }
0xc7: {  	[sflag:s19] =	ssyncset.done $0x0  }
0xc8: {  	[sflag:s19] =	ssyncadd.s32 $0xFFFFFFF0  }
0xc9: {  	[tilespmem:s21], [sflag:$0x1] =	stream.indirect.gather [hbm4b:s16+s20], $0x80, s1, s20, $0xb8;
	[tilespmem:$0x880] =	vst v63  }
0xca: {  	_ =	swait.ge [sflag:s28], $0x800  }
0xcb: {  	[sflag:s28] =	ssyncset.done $0x0  }
0xcc: {  	[sflag:s28] =	ssyncadd.s32 $0xFFFFF800  }
0xcd: {  	[hbm4b:s9+s1] =	stream.linear.scatter [tilespmem:s21], [sflag:$0x2], $0x800, $0x38;
	[tilespmem:$0x880] =	vst v63  }
0xce: {  	_ =	swait.ge [sflag:s19], $0x800  }
0xcf: {  	[sflag:s19] =	ssyncset.done $0x0  }
0xd0: {  	s0 =	rddreg [dreg:$0xc];
	[sflag:s19] =	ssyncadd.s32 $0xFFFFF800  }
0xd1: {  	[tilespmem:s1], [sflag:$0x2] =	stream.linear.gather [hbm4b:s0+s1], $0x10, $0x38;
	[tilespmem:$0x880] =	vst v63  }
0xd2: {  	_ =	swait.ge [sflag:s19], $0x10  }
0xd3: {  	[sflag:s19] =	ssyncset.done $0x0  }
0xd4: {  	[sflag:s19] =	ssyncadd.s32 $0xFFFFFFF0  }
0xd5: {  	[tilespmem:s21], [sflag:$0x1] =	stream.indirect.gather [hbm4b:s16+s20], $0x80, s1, s20, $0xb8;
	[tilespmem:$0x880] =	vst v63  }
0xd6: {  	_ =	swait.ge [sflag:s28], $0x800  }
0xd7: {  	[sflag:s28] =	ssyncset.done $0x0  }
0xd8: {  	[sflag:s28] =	ssyncadd.s32 $0xFFFFF800  }
0xd9: {  	[hbm4b:s10+s1] =	stream.linear.scatter [tilespmem:s21], [sflag:$0x2], $0x800, $0x38;
	[tilespmem:$0x880] =	vst v63  }
0xda: {  	_ =	swait.ge [sflag:s19], $0x800  }
0xdb: {  	[sflag:s19] =	ssyncset.done $0x0  }
0xdc: {  	s0 =	rddreg [dreg:$0xd];
	[sflag:s19] =	ssyncadd.s32 $0xFFFFF800  }
0xdd: {  	[tilespmem:s1], [sflag:$0x2] =	stream.linear.gather [hbm4b:s0+s1], $0x10, $0x38;
	[tilespmem:$0x880] =	vst v63  }
0xde: {  	_ =	swait.ge [sflag:s19], $0x10  }
0xdf: {  	[sflag:s19] =	ssyncset.done $0x0  }
0xe0: {  	[sflag:s19] =	ssyncadd.s32 $0xFFFFFFF0  }
0xe1: {  	[tilespmem:s21], [sflag:$0x1] =	stream.indirect.gather [hbm4b:s16+s20], $0x80, s1, s20, $0xb8;
	[tilespmem:$0x880] =	vst v63  }
0xe2: {  	_ =	swait.ge [sflag:s28], $0x800  }
0xe3: {  	[sflag:s28] =	ssyncset.done $0x0  }
0xe4: {  	[sflag:s28] =	ssyncadd.s32 $0xFFFFF800  }
0xe5: {  	[hbm4b:s11+s1] =	stream.linear.scatter [tilespmem:s21], [sflag:$0x2], $0x800, $0x38;
	[tilespmem:$0x880] =	vst v63  }
0xe6: {  	_ =	swait.ge [sflag:s19], $0x800  }
0xe7: {  	[sflag:s19] =	ssyncset.done $0x0  }
0xe8: {  	s0 =	rddreg [dreg:$0xe];
	[sflag:s19] =	ssyncadd.s32 $0xFFFFF800  }
0xe9: {  	[tilespmem:s1], [sflag:$0x2] =	stream.linear.gather [hbm4b:s0+s1], $0x10, $0x38;
	[tilespmem:$0x880] =	vst v63  }
0xea: {  	_ =	swait.ge [sflag:s19], $0x10  }
0xeb: {  	[sflag:s19] =	ssyncset.done $0x0  }
0xec: {  	[sflag:s19] =	ssyncadd.s32 $0xFFFFFFF0  }
0xed: {  	[tilespmem:s21], [sflag:$0x1] =	stream.indirect.gather [hbm4b:s16+s20], $0x80, s1, s20, $0xb8;
	[tilespmem:$0x880] =	vst v63  }
0xee: {  	_ =	swait.ge [sflag:s28], $0x800  }
0xef: {  	[sflag:s28] =	ssyncset.done $0x0  }
0xf0: {  	[sflag:s28] =	ssyncadd.s32 $0xFFFFF800  }
0xf1: {  	[hbm4b:s12+s1] =	stream.linear.scatter [tilespmem:s21], [sflag:$0x2], $0x800, $0x38;
	[tilespmem:$0x880] =	vst v63  }
0xf2: {  	_ =	swait.ge [sflag:s19], $0x800  }
0xf3: {  	[sflag:s19] =	ssyncset.done $0x0  }
0xf4: {  	s0 =	rddreg [dreg:$0xf];
	[sflag:s19] =	ssyncadd.s32 $0xFFFFF800  }
0xf5: {  	[tilespmem:s1], [sflag:$0x2] =	stream.linear.gather [hbm4b:s0+s1], $0x10, $0x38;
	[tilespmem:$0x880] =	vst v63  }
0xf6: {  	_ =	swait.ge [sflag:s19], $0x10  }
0xf7: {  	[sflag:s19] =	ssyncset.done $0x0  }
0xf8: {  	[sflag:s19] =	ssyncadd.s32 $0xFFFFFFF0  }
0xf9: {  	[tilespmem:s21], [sflag:$0x1] =	stream.indirect.gather [hbm4b:s16+s20], $0x80, s1, s20, $0xb8;
	[tilespmem:$0x880] =	vst v63  }
0xfa: {  	_ =	swait.ge [sflag:s28], $0x800  }
0xfb: {  	[sflag:s28] =	ssyncset.done $0x0  }
0xfc: {  	[sflag:s28] =	ssyncadd.s32 $0xFFFFF800  }
0xfd: {  	[hbm4b:s13+s1] =	stream.linear.scatter [tilespmem:s21], [sflag:$0x2], $0x800, $0x38;
	[tilespmem:$0x880] =	vst v63  }
0xfe: {  	_ =	swait.ge [sflag:s19], $0x800  }
0xff: {  	[sflag:s19] =	ssyncset.done $0x0  }
0x100: {  	s0 =	rddreg [dreg:$0x10];
	[sflag:s19] =	ssyncadd.s32 $0xFFFFF800  }
0x101: {  	[tilespmem:s1], [sflag:$0x2] =	stream.linear.gather [hbm4b:s0+s1], $0x10, $0x38;
	[tilespmem:$0x880] =	vst v63  }
0x102: {  	_ =	swait.ge [sflag:s19], $0x10  }
0x103: {  	[sflag:s19] =	ssyncset.done $0x0  }
0x104: {  	[sflag:s19] =	ssyncadd.s32 $0xFFFFFFF0  }
0x105: {  	[tilespmem:s21], [sflag:$0x1] =	stream.indirect.gather [hbm4b:s16+s20], $0x80, s1, s20, $0xb8;
	[tilespmem:$0x880] =	vst v63  }
0x106: {  	_ =	swait.ge [sflag:s28], $0x800  }
0x107: {  	[sflag:s28] =	ssyncset.done $0x0  }
0x108: {  	[sflag:s28] =	ssyncadd.s32 $0xFFFFF800  }
0x109: {  	[hbm4b:s14+s1] =	stream.linear.scatter [tilespmem:s21], [sflag:$0x2], $0x800, $0x38;
	[tilespmem:$0x880] =	vst v63  }
0x10a: {  	_ =	swait.ge [sflag:s19], $0x800  }
0x10b: {  	[sflag:s19] =	ssyncset.done $0x0  }
0x10c: {  	s0 =	rddreg [dreg:$0x11];
	[sflag:s19] =	ssyncadd.s32 $0xFFFFF800  }
0x10d: {  	[tilespmem:s1], [sflag:$0x2] =	stream.linear.gather [hbm4b:s0+s1], $0x10, $0x38;
	[tilespmem:$0x880] =	vst v63  }
0x10e: {  	_ =	swait.ge [sflag:s19], $0x10  }
0x10f: {  	[sflag:s19] =	ssyncset.done $0x0  }
0x110: {  	[sflag:s19] =	ssyncadd.s32 $0xFFFFFFF0  }
0x111: {  	[tilespmem:s21], [sflag:$0x1] =	stream.indirect.gather [hbm4b:s16+s20], $0x80, s1, s20, $0xb8;
	[tilespmem:$0x880] =	vst v63  }
0x112: {  	_ =	swait.ge [sflag:s28], $0x800  }
0x113: {  	[sflag:s28] =	ssyncset.done $0x0  }
0x114: {  	[sflag:s28] =	ssyncadd.s32 $0xFFFFF800  }
0x115: {  	[hbm4b:s15+s1] =	stream.linear.scatter [tilespmem:s21], [sflag:$0x2], $0x800, $0x38;
	[tilespmem:$0x880] =	vst v63  }
0x116: {  	_ =	swait.ge [sflag:s19], $0x800  }
0x117: {  	[sflag:s19] =	ssyncset.done $0x0  }
0x118: {  	s0 =	rddreg [dreg:$0x12];
	[sflag:s19] =	ssyncadd.s32 $0xFFFFF800  }
0x119: {  	[tilespmem:s1], [sflag:$0x2] =	stream.linear.gather [hbm4b:s0+s1], $0x10, $0x38;
	[tilespmem:$0x880] =	vst v63  }
0x11a: {  	_ =	swait.ge [sflag:s19], $0x10  }
0x11b: {  	[sflag:s19] =	ssyncset.done $0x0  }
0x11c: {  	[sflag:s19] =	ssyncadd.s32 $0xFFFFFFF0  }
0x11d: {  	[tilespmem:s21], [sflag:$0x1] =	stream.indirect.gather [hbm4b:s16+s20], $0x80, s1, s20, $0xb8;
	[tilespmem:$0x880] =	vst v63  }
0x11e: {  	_ =	swait.ge [sflag:s28], $0x800  }
0x11f: {  	[sflag:s28] =	ssyncset.done $0x0  }
.Ltmp3:
0x120: {  	[sflag:s28] =	ssyncadd.s32 $0xFFFFF800;
	(pc) =	sbr.rel .LBB2_3-.Ltmp3, $4  }
0x121: {  	[hbm4b:s17+s1] =	stream.linear.scatter [tilespmem:s21], [sflag:$0x2], $0x800, $0x38;
	[tilespmem:$0x880] =	vst v63  }
0x122: {  	_ =	swait.ge [sflag:s19], $0x800  }
0x123: {  	[sflag:s19] =	ssyncset.done $0x0  }
0x124: {  	[sflag:s19] =	ssyncadd.s32 $0xFFFFF800  }
.LBB2_4:
0x125: {  	_ =	sfence.sel $0x180000  }
0x126: {  	[bflag:$0x0] =	sbarrier.arrive $0xFFFF  }
0x127: {  	_ =	strace $0x9000004A  }
0x128: {  	s0 =	stileid.u32;
	[bflag:$0x2] =	sbarrier.arrive $0xFFFF  }
0x129: {  	p0 =	sne.s32 s0, $0x0;
	s0 =	rddreg [dreg:$0x3]  }
0x12a: {  	s0 =	sadd.s32 @!p0 $0x100000, s0  }
0x12b: {  	[sflag:s0] =	ssyncadd.tile.s32 @!p0 $0x1;
	_ =	shalt  }
.Lfunc_end2:
_tile_overlayer_lowered:
.L_overlay_start_2:
0x12c: {  	(tag) =	ssettag $0x2  }
0x12d: {  	s0 =	rddreg [dreg:$0x0];
	s2 =	stileid.u32  }
0x12e: {  	s1 =	rddreg [dreg:$0x1];
	p0 =	sne.s32 s2, $0x0  }
0x12f: {  	s3 =	rddreg [dreg:$0x2];
	[bflag:$0x3] =	sbarrier.arrive $0xFFFF;
	s2 =	simm.s32 @!p0 $0x1C02  }
0x130: {  	[timem:s3], [sflag:s2] =	dma.local @!p0 [hbm:s0], s1  }
0x131: {  	s0 =	simm.s32 @!p0 $0x2  }
0x132: {  	_ =	swait.ge @!p0 [sflag:s0], s1  }
0x133: {  	s1 =	ssub.s32 @!p0 $0x0, s1;
	[sflag:s0] =	ssyncset.done @!p0 $0x0  }
0x134: {  	[sflag:s0] =	ssyncadd.s32 @!p0 s1  }
0x135: {  	[bflag:$0x3] =	sbarrier.arrive $0xFFFF  }
0x136: {  	_ =	shalt  }

</sc_bundles>
